<compile_context>
chip_gen: v7x
topology: tpu7x:2x2x1
jax: 0.10.2.dev20260603
libtpu: 0.0.44.dev20260713+nightly
codegen_flags: <defaults>
</compile_context>

<pallas_src>
import functools
import math

import jax
import jax.numpy as jnp
from jax import lax
from jax.experimental import pallas as pl
from jax.experimental.pallas import tpu as pltpu
from jax.experimental.pallas import tpu_sc as plsc

_VOCAB = 100001
_DIM = 1024
_NUM_HEADS = 16
_HEAD_DIM = _DIM // _NUM_HEADS
_HALF = _HEAD_DIM // 2

_NC, _NS = 2, 16
_NW = _NC * _NS
_N = 4 * 8192
_BPW = _N // _NW
_C = 16
_NCHUNK = _BPW // _C
_NBUF = 4

_sc_mesh = plsc.VectorSubcoreMesh(
    core_axis_name="c", subcore_axis_name="s", num_cores=_NC, num_subcores=_NS
)


@functools.partial(
    pl.kernel,
    out_type=jax.ShapeDtypeStruct((_N, _DIM), jnp.float32),
    mesh=_sc_mesh,
    scratch_types=[
        pltpu.VMEM((_BPW,), jnp.int32),
        pltpu.VMEM((_NBUF, _C, _DIM), jnp.float32),
        [pltpu.SemaphoreType.DMA] * _NBUF,
        [pltpu.SemaphoreType.DMA] * _NBUF,
    ],
)
def _sc_gather(idx_hbm, table_hbm, out_hbm, idx_v, rows_v, gsems, ssems):
    wid = lax.axis_index("s") * _NC + lax.axis_index("c")
    base = wid * _BPW
    wpr = 8192 // _BPW
    pltpu.sync_copy(
        idx_hbm.at[wid // wpr, pl.ds((wid % wpr) * _BPW, _BPW)], idx_v
    )

    def start_gather(g, b):
        off = pl.multiple_of(g * _C, _C)
        pltpu.async_copy(
            table_hbm.at[idx_v.at[pl.ds(off, _C)]], rows_v.at[b], gsems[b]
        )

    def wait_gather(b):
        pltpu.make_async_copy(
            table_hbm.at[pl.ds(0, _C)], rows_v.at[b], gsems[b]
        ).wait()

    def start_store(g, b):
        off = pl.multiple_of(base + g * _C, _C)
        pltpu.async_copy(rows_v.at[b], out_hbm.at[pl.ds(off, _C)], ssems[b])

    def wait_store(b):
        pltpu.make_async_copy(
            rows_v.at[b], out_hbm.at[pl.ds(base, _C)], ssems[b]
        ).wait()

    start_gather(0, 0)
    start_gather(1, 1)
    start_gather(2, 2)

    wait_gather(0)
    start_store(0, 0)
    start_gather(3, 3)

    def body(i, carry):
        g0 = i * _NBUF + 1
        for k in range(_NBUF):
            g = g0 + k
            b = (k + 1) % _NBUF
            wait_gather(b)
            start_store(g, b)
            b3 = (b + 3) % _NBUF
            wait_store(b3)
            start_gather(g + 3, b3)
        return carry

    lax.fori_loop(0, (_NCHUNK - _NBUF) // _NBUF, body, 0)

    for g in (_NCHUNK - 3, _NCHUNK - 2, _NCHUNK - 1):
        b = g % _NBUF
        wait_gather(b)
        start_store(g, b)
    for b in range(_NBUF):
        wait_store(b)


def _pos_body(o_ref):
    R = o_ref.shape[0]
    r = lax.broadcasted_iota(jnp.int32, (R, 128), 0)
    c = lax.broadcasted_iota(jnp.int32, (R, 128), 1)
    t = (2 * r + (c // 64)).astype(jnp.float32)
    j = (c % _HALF).astype(jnp.float32)
    is_sin = (c % 64) >= _HALF
    inv_freq = jnp.exp(j * (-math.log(10000.0) / _HALF))
    angle = t * inv_freq - jnp.where(is_sin, jnp.float32(math.pi / 2), 0.0)
    o_ref[...] = jnp.cos(angle)


def kernel(x, tok_embed):
    B, L = x.shape
    h = _sc_gather(x.astype(jnp.int32), tok_embed.astype(jnp.float32))
    h = h.reshape(B, L, _DIM)
    pos = pl.pallas_call(
        _pos_body,
        out_shape=jax.ShapeDtypeStruct((L // 2, 2 * _HEAD_DIM), jnp.float32),
    )().reshape(L, _HEAD_DIM)
    return (h, pos)

# --- scband reference (transcript-rebuilt; emitter-appended) ---
"""Pipeline reference for scband-masked-input-layer-28724741276194 (READ-ONLY COPY).

The authoritative reference and input builder live on the scoring server;
editing this copy changes nothing except your own understanding.
"""

import jax, jax.numpy as jnp
import numpy as np

VOCAB_SIZE = 100000
DIM = 1024
NUM_HEADS = 16
MAX_CONTEXT_LENGTH = 8192
HEAD_DIM = DIM // NUM_HEADS


def _rotary_pos(L):
    # Standard RoPE tables: inv_freq over half the head dim, base 10000.
    inv_freq = 1.0 / (10000.0 ** (jnp.arange(0, HEAD_DIM, 2, dtype=jnp.float32) / HEAD_DIM))
    t = jnp.arange(L, dtype=jnp.float32)
    freqs = jnp.outer(t, inv_freq)  # [L, HEAD_DIM//2]
    # pos carries cos and sin tables concatenated along the last axis: [L, HEAD_DIM]
    return jnp.concatenate([jnp.cos(freqs), jnp.sin(freqs)], axis=-1)


def setup_inputs(seed: int = 0) -> dict:
    key = jax.random.key(seed)
    k_idx, k_tab = jax.random.split(key)
    x = jax.random.randint(k_idx, (4, 8192), 0, VOCAB_SIZE, dtype=jnp.int64)
    # nn.Embedding(vocab_size + 1, dim) weight
    tok_embed = jax.random.normal(k_tab, (VOCAB_SIZE + 1, DIM), dtype=jnp.float32)
    return {"x": x, "tok_embed": tok_embed}


def reference(x, tok_embed):
    B, L = x.shape
    h = jnp.take(tok_embed, x, axis=0)  # embedding lookup (gather)
    pos = _rotary_pos(L)
    return (h, pos)

if __name__ == "__main__":
    import jax
    _d = setup_inputs()
    print(jax.jit(kernel)(*tuple(_d.values())))

</pallas_src>

<mosaic_0001>
#map = affine_map<(d0, d1) -> (0, 0)>
module attributes {stable_mosaic.version = 14 : i64} {
  func.func @_sc_gather(%arg0: i32, %arg1: i32, %arg2: memref<4x8192xi32, #tpu.memory_space<hbm>>, %arg3: memref<100001x1024xf32, #tpu.memory_space<hbm>>, %arg4: memref<32768x1024xf32, #tpu.memory_space<hbm>>, %arg5: memref<1024xi32, #tpu.memory_space<vmem>>, %arg6: memref<4x16x1024xf32, #tpu.memory_space<vmem>>, %arg7: memref<!tpu.dma_semaphore, #tpu.memory_space<semaphore_mem>>, %arg8: memref<!tpu.dma_semaphore, #tpu.memory_space<semaphore_mem>>, %arg9: memref<!tpu.dma_semaphore, #tpu.memory_space<semaphore_mem>>, %arg10: memref<!tpu.dma_semaphore, #tpu.memory_space<semaphore_mem>>, %arg11: memref<!tpu.dma_semaphore, #tpu.memory_space<semaphore_mem>>, %arg12: memref<!tpu.dma_semaphore, #tpu.memory_space<semaphore_mem>>, %arg13: memref<!tpu.dma_semaphore, #tpu.memory_space<semaphore_mem>>, %arg14: memref<!tpu.dma_semaphore, #tpu.memory_space<semaphore_mem>>) attributes {dimension_semantics = [#tpu.dimension_semantics<core_parallel>, #tpu.dimension_semantics<subcore_parallel>], iteration_bounds = array<i64: 2, 16>, scalar_prefetch = 0 : i64, scratch_operands = 10 : i64, tpu.core_type = #tpu.core_type<sc_vector_subcore>, window_params = [{transform_indices = #map}, {transform_indices = #map}, {transform_indices = #map}]} {
    %mul3A = arith.constant 2 : i32
    %mul3A_0 = arith.muli %arg1, %mul3A : i32
    %add3A = arith.addi %mul3A_0, %arg0 : i32
    %mul3A_1 = arith.constant 1024 : i32
    %mul3A_2 = arith.muli %add3A, %mul3A_1 : i32
    %jit3A = arith.constant 8 : i32
    %div3A = arith.divsi %add3A, %jit3A : i32
    %sign3A = arith.constant 0 : i32
    %sign3A_3 = arith.cmpi sgt, %add3A, %sign3A : i32
    %sign3A_4 = arith.extui %sign3A_3 : i1 to i32
    %sign3A_5 = arith.constant 0 : i32
    %sign3A_6 = arith.cmpi slt, %add3A, %sign3A_5 : i32
    %sign3A_7 = arith.extui %sign3A_6 : i1 to i32
    %sign3A_8 = arith.subi %sign3A_4, %sign3A_7 : i32
    %sign3A_9 = arith.constant 0 : i32
    %sign3A_10 = arith.cmpi sgt, %jit3A, %sign3A_9 : i32
    %sign3A_11 = arith.extui %sign3A_10 : i1 to i32
    %sign3A_12 = arith.constant 0 : i32
    %sign3A_13 = arith.cmpi slt, %jit3A, %sign3A_12 : i32
    %sign3A_14 = arith.extui %sign3A_13 : i1 to i32
    %sign3A_15 = arith.subi %sign3A_11, %sign3A_14 : i32
    %ne3A = arith.cmpi ne, %sign3A_8, %sign3A_15 : i32
    %rem3A = arith.remsi %add3A, %jit3A : i32
    %ne3A_16 = arith.constant 0 : i32
    %ne3A_17 = arith.cmpi ne, %rem3A, %ne3A_16 : i32
    %and3A = arith.andi %ne3A, %ne3A_17 : i1
    %sub3A = arith.constant 1 : i32
    %sub3A_18 = arith.subi %div3A, %sub3A : i32
    %select_n3A = arith.select %and3A, %sub3A_18, %div3A : i32
    %jit3A_19 = arith.constant 8 : i32
    %eq3A = arith.constant 0 : i32
    %eq3A_20 = arith.cmpi eq, %jit3A_19, %eq3A : i32
    %jit3A_21 = arith.constant 1 : i32
    %select_n3A_22 = arith.select %eq3A_20, %jit3A_21, %jit3A_19 : i32
    %rem3A_23 = arith.remsi %add3A, %select_n3A_22 : i32
    %ne3A_24 = arith.constant 0 : i32
    %ne3A_25 = arith.cmpi ne, %rem3A_23, %ne3A_24 : i32
    %lt3A = arith.constant 0 : i32
    %lt3A_26 = arith.cmpi slt, %rem3A_23, %lt3A : i32
    %lt3A_27 = arith.constant 0 : i32
    %lt3A_28 = arith.cmpi slt, %select_n3A_22, %lt3A_27 : i32
    %ne3A_29 = arith.xori %lt3A_26, %lt3A_28 : i1
    %and3A_30 = arith.andi %ne3A_29, %ne3A_25 : i1
    %add3A_31 = arith.addi %rem3A_23, %select_n3A_22 : i32
    %select_n3A_32 = arith.select %and3A_30, %add3A_31, %rem3A_23 : i32
    %mul3A_33 = arith.constant 1024 : i32
    %mul3A_34 = arith.muli %select_n3A_32, %mul3A_33 : i32
    "tpu.region"() ({
      %run_scoped3A = tpu.sem_alloc : memref<!tpu.dma_semaphore, #tpu.memory_space<semaphore_mem>>
      %dma_start3A_257 = tpu.memref_slice %arg2[%select_n3A, %mul3A_34] : memref<4x8192xi32, #tpu.memory_space<hbm>> -> memref<1x1024xi32, #tpu.memory_space<hbm>>
      %dma_start3A_258 = tpu.memref_squeeze %dma_start3A_257 : memref<1x1024xi32, #tpu.memory_space<hbm>> -> memref<1024xi32, #tpu.memory_space<hbm>>
      %dma_start3A_259 = tpu.memref_slice %arg2[%select_n3A, %mul3A_34] : memref<4x8192xi32, #tpu.memory_space<hbm>> -> memref<1x1024xi32, #tpu.memory_space<hbm>>
      %dma_start3A_260 = tpu.memref_squeeze %dma_start3A_259 : memref<1x1024xi32, #tpu.memory_space<hbm>> -> memref<1024xi32, #tpu.memory_space<hbm>>
      tpu.enqueue_dma source(%dma_start3A_260 : memref<1024xi32, #tpu.memory_space<hbm>>) target(%arg5 : memref<1024xi32, #tpu.memory_space<vmem>>) target_semaphore(%run_scoped3A : memref<!tpu.dma_semaphore, #tpu.memory_space<semaphore_mem>>)
      %dma_wait3A_261 = tpu.memref_slice %arg2[%select_n3A, %mul3A_34] : memref<4x8192xi32, #tpu.memory_space<hbm>> -> memref<1x1024xi32, #tpu.memory_space<hbm>>
      %dma_wait3A_262 = tpu.memref_squeeze %dma_wait3A_261 : memref<1x1024xi32, #tpu.memory_space<hbm>> -> memref<1024xi32, #tpu.memory_space<hbm>>
      %dma_wait3A_263 = tpu.memref_slice %arg2[%select_n3A, %mul3A_34] : memref<4x8192xi32, #tpu.memory_space<hbm>> -> memref<1x1024xi32, #tpu.memory_space<hbm>>
      %dma_wait3A_264 = tpu.memref_squeeze %dma_wait3A_263 : memref<1x1024xi32, #tpu.memory_space<hbm>> -> memref<1024xi32, #tpu.memory_space<hbm>>
      tpu.wait_dma2 semaphore(%run_scoped3A : memref<!tpu.dma_semaphore, #tpu.memory_space<semaphore_mem>>) src(%dma_wait3A_264 : memref<1024xi32, #tpu.memory_space<hbm>>) dst(%arg5 : memref<1024xi32, #tpu.memory_space<vmem>>)
      tpu.yield
    }) : () -> ()
    %multiple_of3A = arith.constant 0 : i32
    %multiple_of3A_35 = tpu.assume_multiple %multiple_of3A, 16 : i32
    %dma_start3A = arith.constant 0 : i32
    %dma_start3A_36 = arith.constant 0 : i32
    %dma_start3A_37 = arith.constant 0 : i32
    %dma_start3A_38 = tpu.memref_slice %arg6[%dma_start3A, %dma_start3A_36, %dma_start3A_37] : memref<4x16x1024xf32, #tpu.memory_space<vmem>> -> memref<1x16x1024xf32, #tpu.memory_space<vmem>>
    %dma_start3A_39 = tpu.memref_squeeze %dma_start3A_38 : memref<1x16x1024xf32, #tpu.memory_space<vmem>> -> memref<16x1024xf32, #tpu.memory_space<vmem>>
    %dma_start3A_40 = tpu.memref_slice %arg5[%multiple_of3A_35] : memref<1024xi32, #tpu.memory_space<vmem>> -> memref<16xi32, #tpu.memory_space<vmem>>
    %dma_start3A_41 = arith.constant 0 : i32
    %dma_start3A_42 = arith.constant 0 : i32
    %dma_start3A_43 = tpu.memref_slice %arg3[%dma_start3A_41, %dma_start3A_42] : memref<100001x1024xf32, #tpu.memory_space<hbm>> -> memref<100001x1024xf32, #tpu.memory_space<hbm>>
    tpu.enqueue_indirect_dma source(%dma_start3A_43 : memref<100001x1024xf32, #tpu.memory_space<hbm>>) target(%dma_start3A_39 : memref<16x1024xf32, #tpu.memory_space<vmem>>) offsets(%dma_start3A_40 : memref<16xi32, #tpu.memory_space<vmem>>) semaphore(%arg7 : memref<!tpu.dma_semaphore, #tpu.memory_space<semaphore_mem>>)
    %multiple_of3A_44 = arith.constant 16 : i32
    %multiple_of3A_45 = tpu.assume_multiple %multiple_of3A_44, 16 : i32
    %dma_start3A_46 = arith.constant 1 : i32
    %dma_start3A_47 = arith.constant 0 : i32
    %dma_start3A_48 = arith.constant 0 : i32
    %dma_start3A_49 = tpu.memref_slice %arg6[%dma_start3A_46, %dma_start3A_47, %dma_start3A_48] : memref<4x16x1024xf32, #tpu.memory_space<vmem>> -> memref<1x16x1024xf32, #tpu.memory_space<vmem>>
    %dma_start3A_50 = tpu.memref_squeeze %dma_start3A_49 : memref<1x16x1024xf32, #tpu.memory_space<vmem>> -> memref<16x1024xf32, #tpu.memory_space<vmem>>
    %dma_start3A_51 = tpu.memref_slice %arg5[%multiple_of3A_45] : memref<1024xi32, #tpu.memory_space<vmem>> -> memref<16xi32, #tpu.memory_space<vmem>>
    %dma_start3A_52 = arith.constant 0 : i32
    %dma_start3A_53 = arith.constant 0 : i32
    %dma_start3A_54 = tpu.memref_slice %arg3[%dma_start3A_52, %dma_start3A_53] : memref<100001x1024xf32, #tpu.memory_space<hbm>> -> memref<100001x1024xf32, #tpu.memory_space<hbm>>
    tpu.enqueue_indirect_dma source(%dma_start3A_54 : memref<100001x1024xf32, #tpu.memory_space<hbm>>) target(%dma_start3A_50 : memref<16x1024xf32, #tpu.memory_space<vmem>>) offsets(%dma_start3A_51 : memref<16xi32, #tpu.memory_space<vmem>>) semaphore(%arg8 : memref<!tpu.dma_semaphore, #tpu.memory_space<semaphore_mem>>)
    %multiple_of3A_55 = arith.constant 32 : i32
    %multiple_of3A_56 = tpu.assume_multiple %multiple_of3A_55, 16 : i32
    %dma_start3A_57 = arith.constant 2 : i32
    %dma_start3A_58 = arith.constant 0 : i32
    %dma_start3A_59 = arith.constant 0 : i32
    %dma_start3A_60 = tpu.memref_slice %arg6[%dma_start3A_57, %dma_start3A_58, %dma_start3A_59] : memref<4x16x1024xf32, #tpu.memory_space<vmem>> -> memref<1x16x1024xf32, #tpu.memory_space<vmem>>
    %dma_start3A_61 = tpu.memref_squeeze %dma_start3A_60 : memref<1x16x1024xf32, #tpu.memory_space<vmem>> -> memref<16x1024xf32, #tpu.memory_space<vmem>>
    %dma_start3A_62 = tpu.memref_slice %arg5[%multiple_of3A_56] : memref<1024xi32, #tpu.memory_space<vmem>> -> memref<16xi32, #tpu.memory_space<vmem>>
    %dma_start3A_63 = arith.constant 0 : i32
    %dma_start3A_64 = arith.constant 0 : i32
    %dma_start3A_65 = tpu.memref_slice %arg3[%dma_start3A_63, %dma_start3A_64] : memref<100001x1024xf32, #tpu.memory_space<hbm>> -> memref<100001x1024xf32, #tpu.memory_space<hbm>>
    tpu.enqueue_indirect_dma source(%dma_start3A_65 : memref<100001x1024xf32, #tpu.memory_space<hbm>>) target(%dma_start3A_61 : memref<16x1024xf32, #tpu.memory_space<vmem>>) offsets(%dma_start3A_62 : memref<16xi32, #tpu.memory_space<vmem>>) semaphore(%arg9 : memref<!tpu.dma_semaphore, #tpu.memory_space<semaphore_mem>>)
    %dma_wait3A = arith.constant 0 : i32
    %dma_wait3A_66 = arith.constant 0 : i32
    %dma_wait3A_67 = arith.constant 0 : i32
    %dma_wait3A_68 = tpu.memref_slice %arg6[%dma_wait3A, %dma_wait3A_66, %dma_wait3A_67] : memref<4x16x1024xf32, #tpu.memory_space<vmem>> -> memref<1x16x1024xf32, #tpu.memory_space<vmem>>
    %dma_wait3A_69 = tpu.memref_squeeze %dma_wait3A_68 : memref<1x16x1024xf32, #tpu.memory_space<vmem>> -> memref<16x1024xf32, #tpu.memory_space<vmem>>
    %dma_wait3A_70 = arith.constant 0 : i32
    %dma_wait3A_71 = arith.constant 0 : i32
    %dma_wait3A_72 = tpu.memref_slice %arg3[%dma_wait3A_70, %dma_wait3A_71] : memref<100001x1024xf32, #tpu.memory_space<hbm>> -> memref<16x1024xf32, #tpu.memory_space<hbm>>
    %dma_wait3A_73 = arith.constant 0 : i32
    %dma_wait3A_74 = arith.constant 0 : i32
    %dma_wait3A_75 = tpu.memref_slice %arg6[%dma_wait3A, %dma_wait3A_73, %dma_wait3A_74] : memref<4x16x1024xf32, #tpu.memory_space<vmem>> -> memref<1x16x1024xf32, #tpu.memory_space<vmem>>
    %dma_wait3A_76 = tpu.memref_squeeze %dma_wait3A_75 : memref<1x16x1024xf32, #tpu.memory_space<vmem>> -> memref<16x1024xf32, #tpu.memory_space<vmem>>
    %dma_wait3A_77 = arith.constant 0 : i32
    %dma_wait3A_78 = arith.constant 0 : i32
    %dma_wait3A_79 = tpu.memref_slice %arg3[%dma_wait3A_77, %dma_wait3A_78] : memref<100001x1024xf32, #tpu.memory_space<hbm>> -> memref<16x1024xf32, #tpu.memory_space<hbm>>
    tpu.wait_dma2 semaphore(%arg7 : memref<!tpu.dma_semaphore, #tpu.memory_space<semaphore_mem>>) src(%dma_wait3A_79 : memref<16x1024xf32, #tpu.memory_space<hbm>>) dst(%dma_wait3A_76 : memref<16x1024xf32, #tpu.memory_space<vmem>>)
    %add3A_80 = arith.constant 0 : i32
    %add3A_81 = arith.addi %mul3A_2, %add3A_80 : i32
    %multiple_of3A_82 = tpu.assume_multiple %add3A_81, 16 : i32
    %dma_start3A_83 = arith.constant 0 : i32
    %dma_start3A_84 = arith.constant 0 : i32
    %dma_start3A_85 = arith.constant 0 : i32
    %dma_start3A_86 = tpu.memref_slice %arg6[%dma_start3A_83, %dma_start3A_84, %dma_start3A_85] : memref<4x16x1024xf32, #tpu.memory_space<vmem>> -> memref<1x16x1024xf32, #tpu.memory_space<vmem>>
    %dma_start3A_87 = tpu.memref_squeeze %dma_start3A_86 : memref<1x16x1024xf32, #tpu.memory_space<vmem>> -> memref<16x1024xf32, #tpu.memory_space<vmem>>
    %dma_start3A_88 = arith.constant 0 : i32
    %dma_start3A_89 = tpu.memref_slice %arg4[%multiple_of3A_82, %dma_start3A_88] : memref<32768x1024xf32, #tpu.memory_space<hbm>> -> memref<16x1024xf32, #tpu.memory_space<hbm>>
    %dma_start3A_90 = arith.constant 0 : i32
    %dma_start3A_91 = tpu.memref_slice %arg4[%multiple_of3A_82, %dma_start3A_90] : memref<32768x1024xf32, #tpu.memory_space<hbm>> -> memref<16x1024xf32, #tpu.memory_space<hbm>>
    %dma_start3A_92 = arith.constant 0 : i32
    %dma_start3A_93 = arith.constant 0 : i32
    %dma_start3A_94 = tpu.memref_slice %arg6[%dma_start3A_83, %dma_start3A_92, %dma_start3A_93] : memref<4x16x1024xf32, #tpu.memory_space<vmem>> -> memref<1x16x1024xf32, #tpu.memory_space<vmem>>
    %dma_start3A_95 = tpu.memref_squeeze %dma_start3A_94 : memref<1x16x1024xf32, #tpu.memory_space<vmem>> -> memref<16x1024xf32, #tpu.memory_space<vmem>>
    tpu.enqueue_dma source(%dma_start3A_95 : memref<16x1024xf32, #tpu.memory_space<vmem>>) target(%dma_start3A_91 : memref<16x1024xf32, #tpu.memory_space<hbm>>) target_semaphore(%arg11 : memref<!tpu.dma_semaphore, #tpu.memory_space<semaphore_mem>>)
    %multiple_of3A_96 = arith.constant 48 : i32
    %multiple_of3A_97 = tpu.assume_multiple %multiple_of3A_96, 16 : i32
    %dma_start3A_98 = arith.constant 3 : i32
    %dma_start3A_99 = arith.constant 0 : i32
    %dma_start3A_100 = arith.constant 0 : i32
    %dma_start3A_101 = tpu.memref_slice %arg6[%dma_start3A_98, %dma_start3A_99, %dma_start3A_100] : memref<4x16x1024xf32, #tpu.memory_space<vmem>> -> memref<1x16x1024xf32, #tpu.memory_space<vmem>>
    %dma_start3A_102 = tpu.memref_squeeze %dma_start3A_101 : memref<1x16x1024xf32, #tpu.memory_space<vmem>> -> memref<16x1024xf32, #tpu.memory_space<vmem>>
    %dma_start3A_103 = tpu.memref_slice %arg5[%multiple_of3A_97] : memref<1024xi32, #tpu.memory_space<vmem>> -> memref<16xi32, #tpu.memory_space<vmem>>
    %dma_start3A_104 = arith.constant 0 : i32
    %dma_start3A_105 = arith.constant 0 : i32
    %dma_start3A_106 = tpu.memref_slice %arg3[%dma_start3A_104, %dma_start3A_105] : memref<100001x1024xf32, #tpu.memory_space<hbm>> -> memref<100001x1024xf32, #tpu.memory_space<hbm>>
    tpu.enqueue_indirect_dma source(%dma_start3A_106 : memref<100001x1024xf32, #tpu.memory_space<hbm>>) target(%dma_start3A_102 : memref<16x1024xf32, #tpu.memory_space<vmem>>) offsets(%dma_start3A_103 : memref<16xi32, #tpu.memory_space<vmem>>) semaphore(%arg10 : memref<!tpu.dma_semaphore, #tpu.memory_space<semaphore_mem>>)
    %scan3A = arith.constant 0 : i32
    %scan3A_107 = arith.constant 0 : i32
    %scan3A_108 = arith.constant 15 : i32
    %scan3A_109 = arith.addi %scan3A_107, %scan3A_108 : i32
    %scan3A_110 = arith.constant 1 : i32
    scf.for %scan3A_257 = %scan3A_107 to %scan3A_109 step %scan3A_110  : i32 {
      %mul3A_258 = arith.constant 4 : i32
      %mul3A_259 = arith.muli %scan3A_257, %mul3A_258 : i32
      %add3A_260 = arith.constant 1 : i32
      %add3A_261 = arith.addi %mul3A_259, %add3A_260 : i32
      %add3A_262 = arith.constant 0 : i32
      %add3A_263 = arith.addi %add3A_261, %add3A_262 : i32
      %dma_wait3A_264 = arith.constant 1 : i32
      %dma_wait3A_265 = arith.constant 0 : i32
      %dma_wait3A_266 = arith.constant 0 : i32
      %dma_wait3A_267 = tpu.memref_slice %arg6[%dma_wait3A_264, %dma_wait3A_265, %dma_wait3A_266] : memref<4x16x1024xf32, #tpu.memory_space<vmem>> -> memref<1x16x1024xf32, #tpu.memory_space<vmem>>
      %dma_wait3A_268 = tpu.memref_squeeze %dma_wait3A_267 : memref<1x16x1024xf32, #tpu.memory_space<vmem>> -> memref<16x1024xf32, #tpu.memory_space<vmem>>
      %dma_wait3A_269 = arith.constant 0 : i32
      %dma_wait3A_270 = arith.constant 0 : i32
      %dma_wait3A_271 = tpu.memref_slice %arg3[%dma_wait3A_269, %dma_wait3A_270] : memref<100001x1024xf32, #tpu.memory_space<hbm>> -> memref<16x1024xf32, #tpu.memory_space<hbm>>
      %dma_wait3A_272 = arith.constant 0 : i32
      %dma_wait3A_273 = arith.constant 0 : i32
      %dma_wait3A_274 = tpu.memref_slice %arg6[%dma_wait3A_264, %dma_wait3A_272, %dma_wait3A_273] : memref<4x16x1024xf32, #tpu.memory_space<vmem>> -> memref<1x16x1024xf32, #tpu.memory_space<vmem>>
      %dma_wait3A_275 = tpu.memref_squeeze %dma_wait3A_274 : memref<1x16x1024xf32, #tpu.memory_space<vmem>> -> memref<16x1024xf32, #tpu.memory_space<vmem>>
      %dma_wait3A_276 = arith.constant 0 : i32
      %dma_wait3A_277 = arith.constant 0 : i32
      %dma_wait3A_278 = tpu.memref_slice %arg3[%dma_wait3A_276, %dma_wait3A_277] : memref<100001x1024xf32, #tpu.memory_space<hbm>> -> memref<16x1024xf32, #tpu.memory_space<hbm>>
      tpu.wait_dma2 semaphore(%arg8 : memref<!tpu.dma_semaphore, #tpu.memory_space<semaphore_mem>>) src(%dma_wait3A_278 : memref<16x1024xf32, #tpu.memory_space<hbm>>) dst(%dma_wait3A_275 : memref<16x1024xf32, #tpu.memory_space<vmem>>)
      %mul3A_279 = arith.constant 16 : i32
      %mul3A_280 = arith.muli %add3A_263, %mul3A_279 : i32
      %add3A_281 = arith.addi %mul3A_2, %mul3A_280 : i32
      %multiple_of3A_282 = tpu.assume_multiple %add3A_281, 16 : i32
      %dma_start3A_283 = arith.constant 1 : i32
      %dma_start3A_284 = arith.constant 0 : i32
      %dma_start3A_285 = arith.constant 0 : i32
      %dma_start3A_286 = tpu.memref_slice %arg6[%dma_start3A_283, %dma_start3A_284, %dma_start3A_285] : memref<4x16x1024xf32, #tpu.memory_space<vmem>> -> memref<1x16x1024xf32, #tpu.memory_space<vmem>>
      %dma_start3A_287 = tpu.memref_squeeze %dma_start3A_286 : memref<1x16x1024xf32, #tpu.memory_space<vmem>> -> memref<16x1024xf32, #tpu.memory_space<vmem>>
      %dma_start3A_288 = arith.constant 0 : i32
      %dma_start3A_289 = tpu.memref_slice %arg4[%multiple_of3A_282, %dma_start3A_288] : memref<32768x1024xf32, #tpu.memory_space<hbm>> -> memref<16x1024xf32, #tpu.memory_space<hbm>>
      %dma_start3A_290 = arith.constant 0 : i32
      %dma_start3A_291 = tpu.memref_slice %arg4[%multiple_of3A_282, %dma_start3A_290] : memref<32768x1024xf32, #tpu.memory_space<hbm>> -> memref<16x1024xf32, #tpu.memory_space<hbm>>
      %dma_start3A_292 = arith.constant 0 : i32
      %dma_start3A_293 = arith.constant 0 : i32
      %dma_start3A_294 = tpu.memref_slice %arg6[%dma_start3A_283, %dma_start3A_292, %dma_start3A_293] : memref<4x16x1024xf32, #tpu.memory_space<vmem>> -> memref<1x16x1024xf32, #tpu.memory_space<vmem>>
      %dma_start3A_295 = tpu.memref_squeeze %dma_start3A_294 : memref<1x16x1024xf32, #tpu.memory_space<vmem>> -> memref<16x1024xf32, #tpu.memory_space<vmem>>
      tpu.enqueue_dma source(%dma_start3A_295 : memref<16x1024xf32, #tpu.memory_space<vmem>>) target(%dma_start3A_291 : memref<16x1024xf32, #tpu.memory_space<hbm>>) target_semaphore(%arg12 : memref<!tpu.dma_semaphore, #tpu.memory_space<semaphore_mem>>)
      %dma_wait3A_296 = arith.constant 0 : i32
      %dma_wait3A_297 = arith.constant 0 : i32
      %dma_wait3A_298 = arith.constant 0 : i32
      %dma_wait3A_299 = tpu.memref_slice %arg6[%dma_wait3A_296, %dma_wait3A_297, %dma_wait3A_298] : memref<4x16x1024xf32, #tpu.memory_space<vmem>> -> memref<1x16x1024xf32, #tpu.memory_space<vmem>>
      %dma_wait3A_300 = tpu.memref_squeeze %dma_wait3A_299 : memref<1x16x1024xf32, #tpu.memory_space<vmem>> -> memref<16x1024xf32, #tpu.memory_space<vmem>>
      %dma_wait3A_301 = arith.constant 0 : i32
      %dma_wait3A_302 = tpu.memref_slice %arg4[%mul3A_2, %dma_wait3A_301] : memref<32768x1024xf32, #tpu.memory_space<hbm>> -> memref<16x1024xf32, #tpu.memory_space<hbm>>
      %dma_wait3A_303 = arith.constant 0 : i32
      %dma_wait3A_304 = tpu.memref_slice %arg4[%mul3A_2, %dma_wait3A_303] : memref<32768x1024xf32, #tpu.memory_space<hbm>> -> memref<16x1024xf32, #tpu.memory_space<hbm>>
      %dma_wait3A_305 = arith.constant 0 : i32
      %dma_wait3A_306 = arith.constant 0 : i32
      %dma_wait3A_307 = tpu.memref_slice %arg6[%dma_wait3A_296, %dma_wait3A_305, %dma_wait3A_306] : memref<4x16x1024xf32, #tpu.memory_space<vmem>> -> memref<1x16x1024xf32, #tpu.memory_space<vmem>>
      %dma_wait3A_308 = tpu.memref_squeeze %dma_wait3A_307 : memref<1x16x1024xf32, #tpu.memory_space<vmem>> -> memref<16x1024xf32, #tpu.memory_space<vmem>>
      tpu.wait_dma2 semaphore(%arg11 : memref<!tpu.dma_semaphore, #tpu.memory_space<semaphore_mem>>) src(%dma_wait3A_308 : memref<16x1024xf32, #tpu.memory_space<vmem>>) dst(%dma_wait3A_304 : memref<16x1024xf32, #tpu.memory_space<hbm>>)
      %add3A_309 = arith.constant 3 : i32
      %add3A_310 = arith.addi %add3A_263, %add3A_309 : i32
      %mul3A_311 = arith.constant 16 : i32
      %mul3A_312 = arith.muli %add3A_310, %mul3A_311 : i32
      %multiple_of3A_313 = tpu.assume_multiple %mul3A_312, 16 : i32
      %dma_start3A_314 = arith.constant 0 : i32
      %dma_start3A_315 = arith.constant 0 : i32
      %dma_start3A_316 = arith.constant 0 : i32
      %dma_start3A_317 = tpu.memref_slice %arg6[%dma_start3A_314, %dma_start3A_315, %dma_start3A_316] : memref<4x16x1024xf32, #tpu.memory_space<vmem>> -> memref<1x16x1024xf32, #tpu.memory_space<vmem>>
      %dma_start3A_318 = tpu.memref_squeeze %dma_start3A_317 : memref<1x16x1024xf32, #tpu.memory_space<vmem>> -> memref<16x1024xf32, #tpu.memory_space<vmem>>
      %dma_start3A_319 = tpu.memref_slice %arg5[%multiple_of3A_313] : memref<1024xi32, #tpu.memory_space<vmem>> -> memref<16xi32, #tpu.memory_space<vmem>>
      %dma_start3A_320 = arith.constant 0 : i32
      %dma_start3A_321 = arith.constant 0 : i32
      %dma_start3A_322 = tpu.memref_slice %arg3[%dma_start3A_320, %dma_start3A_321] : memref<100001x1024xf32, #tpu.memory_space<hbm>> -> memref<100001x1024xf32, #tpu.memory_space<hbm>>
      tpu.enqueue_indirect_dma source(%dma_start3A_322 : memref<100001x1024xf32, #tpu.memory_space<hbm>>) target(%dma_start3A_318 : memref<16x1024xf32, #tpu.memory_space<vmem>>) offsets(%dma_start3A_319 : memref<16xi32, #tpu.memory_space<vmem>>) semaphore(%arg7 : memref<!tpu.dma_semaphore, #tpu.memory_space<semaphore_mem>>)
      %add3A_323 = arith.constant 1 : i32
      %add3A_324 = arith.addi %add3A_261, %add3A_323 : i32
      %dma_wait3A_325 = arith.constant 2 : i32
      %dma_wait3A_326 = arith.constant 0 : i32
      %dma_wait3A_327 = arith.constant 0 : i32
      %dma_wait3A_328 = tpu.memref_slice %arg6[%dma_wait3A_325, %dma_wait3A_326, %dma_wait3A_327] : memref<4x16x1024xf32, #tpu.memory_space<vmem>> -> memref<1x16x1024xf32, #tpu.memory_space<vmem>>
      %dma_wait3A_329 = tpu.memref_squeeze %dma_wait3A_328 : memref<1x16x1024xf32, #tpu.memory_space<vmem>> -> memref<16x1024xf32, #tpu.memory_space<vmem>>
      %dma_wait3A_330 = arith.constant 0 : i32
      %dma_wait3A_331 = arith.constant 0 : i32
      %dma_wait3A_332 = tpu.memref_slice %arg3[%dma_wait3A_330, %dma_wait3A_331] : memref<100001x1024xf32, #tpu.memory_space<hbm>> -> memref<16x1024xf32, #tpu.memory_space<hbm>>
      %dma_wait3A_333 = arith.constant 0 : i32
      %dma_wait3A_334 = arith.constant 0 : i32
      %dma_wait3A_335 = tpu.memref_slice %arg6[%dma_wait3A_325, %dma_wait3A_333, %dma_wait3A_334] : memref<4x16x1024xf32, #tpu.memory_space<vmem>> -> memref<1x16x1024xf32, #tpu.memory_space<vmem>>
      %dma_wait3A_336 = tpu.memref_squeeze %dma_wait3A_335 : memref<1x16x1024xf32, #tpu.memory_space<vmem>> -> memref<16x1024xf32, #tpu.memory_space<vmem>>
      %dma_wait3A_337 = arith.constant 0 : i32
      %dma_wait3A_338 = arith.constant 0 : i32
      %dma_wait3A_339 = tpu.memref_slice %arg3[%dma_wait3A_337, %dma_wait3A_338] : memref<100001x1024xf32, #tpu.memory_space<hbm>> -> memref<16x1024xf32, #tpu.memory_space<hbm>>
      tpu.wait_dma2 semaphore(%arg9 : memref<!tpu.dma_semaphore, #tpu.memory_space<semaphore_mem>>) src(%dma_wait3A_339 : memref<16x1024xf32, #tpu.memory_space<hbm>>) dst(%dma_wait3A_336 : memref<16x1024xf32, #tpu.memory_space<vmem>>)
      %mul3A_340 = arith.constant 16 : i32
      %mul3A_341 = arith.muli %add3A_324, %mul3A_340 : i32
      %add3A_342 = arith.addi %mul3A_2, %mul3A_341 : i32
      %multiple_of3A_343 = tpu.assume_multiple %add3A_342, 16 : i32
      %dma_start3A_344 = arith.constant 2 : i32
      %dma_start3A_345 = arith.constant 0 : i32
      %dma_start3A_346 = arith.constant 0 : i32
      %dma_start3A_347 = tpu.memref_slice %arg6[%dma_start3A_344, %dma_start3A_345, %dma_start3A_346] : memref<4x16x1024xf32, #tpu.memory_space<vmem>> -> memref<1x16x1024xf32, #tpu.memory_space<vmem>>
      %dma_start3A_348 = tpu.memref_squeeze %dma_start3A_347 : memref<1x16x1024xf32, #tpu.memory_space<vmem>> -> memref<16x1024xf32, #tpu.memory_space<vmem>>
      %dma_start3A_349 = arith.constant 0 : i32
      %dma_start3A_350 = tpu.memref_slice %arg4[%multiple_of3A_343, %dma_start3A_349] : memref<32768x1024xf32, #tpu.memory_space<hbm>> -> memref<16x1024xf32, #tpu.memory_space<hbm>>
      %dma_start3A_351 = arith.constant 0 : i32
      %dma_start3A_352 = tpu.memref_slice %arg4[%multiple_of3A_343, %dma_start3A_351] : memref<32768x1024xf32, #tpu.memory_space<hbm>> -> memref<16x1024xf32, #tpu.memory_space<hbm>>
      %dma_start3A_353 = arith.constant 0 : i32
      %dma_start3A_354 = arith.constant 0 : i32
      %dma_start3A_355 = tpu.memref_slice %arg6[%dma_start3A_344, %dma_start3A_353, %dma_start3A_354] : memref<4x16x1024xf32, #tpu.memory_space<vmem>> -> memref<1x16x1024xf32, #tpu.memory_space<vmem>>
      %dma_start3A_356 = tpu.memref_squeeze %dma_start3A_355 : memref<1x16x1024xf32, #tpu.memory_space<vmem>> -> memref<16x1024xf32, #tpu.memory_space<vmem>>
      tpu.enqueue_dma source(%dma_start3A_356 : memref<16x1024xf32, #tpu.memory_space<vmem>>) target(%dma_start3A_352 : memref<16x1024xf32, #tpu.memory_space<hbm>>) target_semaphore(%arg13 : memref<!tpu.dma_semaphore, #tpu.memory_space<semaphore_mem>>)
      %dma_wait3A_357 = arith.constant 1 : i32
      %dma_wait3A_358 = arith.constant 0 : i32
      %dma_wait3A_359 = arith.constant 0 : i32
      %dma_wait3A_360 = tpu.memref_slice %arg6[%dma_wait3A_357, %dma_wait3A_358, %dma_wait3A_359] : memref<4x16x1024xf32, #tpu.memory_space<vmem>> -> memref<1x16x1024xf32, #tpu.memory_space<vmem>>
      %dma_wait3A_361 = tpu.memref_squeeze %dma_wait3A_360 : memref<1x16x1024xf32, #tpu.memory_space<vmem>> -> memref<16x1024xf32, #tpu.memory_space<vmem>>
      %dma_wait3A_362 = arith.constant 0 : i32
      %dma_wait3A_363 = tpu.memref_slice %arg4[%mul3A_2, %dma_wait3A_362] : memref<32768x1024xf32, #tpu.memory_space<hbm>> -> memref<16x1024xf32, #tpu.memory_space<hbm>>
      %dma_wait3A_364 = arith.constant 0 : i32
      %dma_wait3A_365 = tpu.memref_slice %arg4[%mul3A_2, %dma_wait3A_364] : memref<32768x1024xf32, #tpu.memory_space<hbm>> -> memref<16x1024xf32, #tpu.memory_space<hbm>>
      %dma_wait3A_366 = arith.constant 0 : i32
      %dma_wait3A_367 = arith.constant 0 : i32
      %dma_wait3A_368 = tpu.memref_slice %arg6[%dma_wait3A_357, %dma_wait3A_366, %dma_wait3A_367] : memref<4x16x1024xf32, #tpu.memory_space<vmem>> -> memref<1x16x1024xf32, #tpu.memory_space<vmem>>
      %dma_wait3A_369 = tpu.memref_squeeze %dma_wait3A_368 : memref<1x16x1024xf32, #tpu.memory_space<vmem>> -> memref<16x1024xf32, #tpu.memory_space<vmem>>
      tpu.wait_dma2 semaphore(%arg12 : memref<!tpu.dma_semaphore, #tpu.memory_space<semaphore_mem>>) src(%dma_wait3A_369 : memref<16x1024xf32, #tpu.memory_space<vmem>>) dst(%dma_wait3A_365 : memref<16x1024xf32, #tpu.memory_space<hbm>>)
      %add3A_370 = arith.constant 3 : i32
      %add3A_371 = arith.addi %add3A_324, %add3A_370 : i32
      %mul3A_372 = arith.constant 16 : i32
      %mul3A_373 = arith.muli %add3A_371, %mul3A_372 : i32
      %multiple_of3A_374 = tpu.assume_multiple %mul3A_373, 16 : i32
      %dma_start3A_375 = arith.constant 1 : i32
      %dma_start3A_376 = arith.constant 0 : i32
      %dma_start3A_377 = arith.constant 0 : i32
      %dma_start3A_378 = tpu.memref_slice %arg6[%dma_start3A_375, %dma_start3A_376, %dma_start3A_377] : memref<4x16x1024xf32, #tpu.memory_space<vmem>> -> memref<1x16x1024xf32, #tpu.memory_space<vmem>>
      %dma_start3A_379 = tpu.memref_squeeze %dma_start3A_378 : memref<1x16x1024xf32, #tpu.memory_space<vmem>> -> memref<16x1024xf32, #tpu.memory_space<vmem>>
      %dma_start3A_380 = tpu.memref_slice %arg5[%multiple_of3A_374] : memref<1024xi32, #tpu.memory_space<vmem>> -> memref<16xi32, #tpu.memory_space<vmem>>
      %dma_start3A_381 = arith.constant 0 : i32
      %dma_start3A_382 = arith.constant 0 : i32
      %dma_start3A_383 = tpu.memref_slice %arg3[%dma_start3A_381, %dma_start3A_382] : memref<100001x1024xf32, #tpu.memory_space<hbm>> -> memref<100001x1024xf32, #tpu.memory_space<hbm>>
      tpu.enqueue_indirect_dma source(%dma_start3A_383 : memref<100001x1024xf32, #tpu.memory_space<hbm>>) target(%dma_start3A_379 : memref<16x1024xf32, #tpu.memory_space<vmem>>) offsets(%dma_start3A_380 : memref<16xi32, #tpu.memory_space<vmem>>) semaphore(%arg8 : memref<!tpu.dma_semaphore, #tpu.memory_space<semaphore_mem>>)
      %add3A_384 = arith.constant 2 : i32
      %add3A_385 = arith.addi %add3A_261, %add3A_384 : i32
      %dma_wait3A_386 = arith.constant 3 : i32
      %dma_wait3A_387 = arith.constant 0 : i32
      %dma_wait3A_388 = arith.constant 0 : i32
      %dma_wait3A_389 = tpu.memref_slice %arg6[%dma_wait3A_386, %dma_wait3A_387, %dma_wait3A_388] : memref<4x16x1024xf32, #tpu.memory_space<vmem>> -> memref<1x16x1024xf32, #tpu.memory_space<vmem>>
      %dma_wait3A_390 = tpu.memref_squeeze %dma_wait3A_389 : memref<1x16x1024xf32, #tpu.memory_space<vmem>> -> memref<16x1024xf32, #tpu.memory_space<vmem>>
      %dma_wait3A_391 = arith.constant 0 : i32
      %dma_wait3A_392 = arith.constant 0 : i32
      %dma_wait3A_393 = tpu.memref_slice %arg3[%dma_wait3A_391, %dma_wait3A_392] : memref<100001x1024xf32, #tpu.memory_space<hbm>> -> memref<16x1024xf32, #tpu.memory_space<hbm>>
      %dma_wait3A_394 = arith.constant 0 : i32
      %dma_wait3A_395 = arith.constant 0 : i32
      %dma_wait3A_396 = tpu.memref_slice %arg6[%dma_wait3A_386, %dma_wait3A_394, %dma_wait3A_395] : memref<4x16x1024xf32, #tpu.memory_space<vmem>> -> memref<1x16x1024xf32, #tpu.memory_space<vmem>>
      %dma_wait3A_397 = tpu.memref_squeeze %dma_wait3A_396 : memref<1x16x1024xf32, #tpu.memory_space<vmem>> -> memref<16x1024xf32, #tpu.memory_space<vmem>>
      %dma_wait3A_398 = arith.constant 0 : i32
      %dma_wait3A_399 = arith.constant 0 : i32
      %dma_wait3A_400 = tpu.memref_slice %arg3[%dma_wait3A_398, %dma_wait3A_399] : memref<100001x1024xf32, #tpu.memory_space<hbm>> -> memref<16x1024xf32, #tpu.memory_space<hbm>>
      tpu.wait_dma2 semaphore(%arg10 : memref<!tpu.dma_semaphore, #tpu.memory_space<semaphore_mem>>) src(%dma_wait3A_400 : memref<16x1024xf32, #tpu.memory_space<hbm>>) dst(%dma_wait3A_397 : memref<16x1024xf32, #tpu.memory_space<vmem>>)
      %mul3A_401 = arith.constant 16 : i32
      %mul3A_402 = arith.muli %add3A_385, %mul3A_401 : i32
      %add3A_403 = arith.addi %mul3A_2, %mul3A_402 : i32
      %multiple_of3A_404 = tpu.assume_multiple %add3A_403, 16 : i32
      %dma_start3A_405 = arith.constant 3 : i32
      %dma_start3A_406 = arith.constant 0 : i32
      %dma_start3A_407 = arith.constant 0 : i32
      %dma_start3A_408 = tpu.memref_slice %arg6[%dma_start3A_405, %dma_start3A_406, %dma_start3A_407] : memref<4x16x1024xf32, #tpu.memory_space<vmem>> -> memref<1x16x1024xf32, #tpu.memory_space<vmem>>
      %dma_start3A_409 = tpu.memref_squeeze %dma_start3A_408 : memref<1x16x1024xf32, #tpu.memory_space<vmem>> -> memref<16x1024xf32, #tpu.memory_space<vmem>>
      %dma_start3A_410 = arith.constant 0 : i32
      %dma_start3A_411 = tpu.memref_slice %arg4[%multiple_of3A_404, %dma_start3A_410] : memref<32768x1024xf32, #tpu.memory_space<hbm>> -> memref<16x1024xf32, #tpu.memory_space<hbm>>
      %dma_start3A_412 = arith.constant 0 : i32
      %dma_start3A_413 = tpu.memref_slice %arg4[%multiple_of3A_404, %dma_start3A_412] : memref<32768x1024xf32, #tpu.memory_space<hbm>> -> memref<16x1024xf32, #tpu.memory_space<hbm>>
      %dma_start3A_414 = arith.constant 0 : i32
      %dma_start3A_415 = arith.constant 0 : i32
      %dma_start3A_416 = tpu.memref_slice %arg6[%dma_start3A_405, %dma_start3A_414, %dma_start3A_415] : memref<4x16x1024xf32, #tpu.memory_space<vmem>> -> memref<1x16x1024xf32, #tpu.memory_space<vmem>>
      %dma_start3A_417 = tpu.memref_squeeze %dma_start3A_416 : memref<1x16x1024xf32, #tpu.memory_space<vmem>> -> memref<16x1024xf32, #tpu.memory_space<vmem>>
      tpu.enqueue_dma source(%dma_start3A_417 : memref<16x1024xf32, #tpu.memory_space<vmem>>) target(%dma_start3A_413 : memref<16x1024xf32, #tpu.memory_space<hbm>>) target_semaphore(%arg14 : memref<!tpu.dma_semaphore, #tpu.memory_space<semaphore_mem>>)
      %dma_wait3A_418 = arith.constant 2 : i32
      %dma_wait3A_419 = arith.constant 0 : i32
      %dma_wait3A_420 = arith.constant 0 : i32
      %dma_wait3A_421 = tpu.memref_slice %arg6[%dma_wait3A_418, %dma_wait3A_419, %dma_wait3A_420] : memref<4x16x1024xf32, #tpu.memory_space<vmem>> -> memref<1x16x1024xf32, #tpu.memory_space<vmem>>
      %dma_wait3A_422 = tpu.memref_squeeze %dma_wait3A_421 : memref<1x16x1024xf32, #tpu.memory_space<vmem>> -> memref<16x1024xf32, #tpu.memory_space<vmem>>
      %dma_wait3A_423 = arith.constant 0 : i32
      %dma_wait3A_424 = tpu.memref_slice %arg4[%mul3A_2, %dma_wait3A_423] : memref<32768x1024xf32, #tpu.memory_space<hbm>> -> memref<16x1024xf32, #tpu.memory_space<hbm>>
      %dma_wait3A_425 = arith.constant 0 : i32
      %dma_wait3A_426 = tpu.memref_slice %arg4[%mul3A_2, %dma_wait3A_425] : memref<32768x1024xf32, #tpu.memory_space<hbm>> -> memref<16x1024xf32, #tpu.memory_space<hbm>>
      %dma_wait3A_427 = arith.constant 0 : i32
      %dma_wait3A_428 = arith.constant 0 : i32
      %dma_wait3A_429 = tpu.memref_slice %arg6[%dma_wait3A_418, %dma_wait3A_427, %dma_wait3A_428] : memref<4x16x1024xf32, #tpu.memory_space<vmem>> -> memref<1x16x1024xf32, #tpu.memory_space<vmem>>
      %dma_wait3A_430 = tpu.memref_squeeze %dma_wait3A_429 : memref<1x16x1024xf32, #tpu.memory_space<vmem>> -> memref<16x1024xf32, #tpu.memory_space<vmem>>
      tpu.wait_dma2 semaphore(%arg13 : memref<!tpu.dma_semaphore, #tpu.memory_space<semaphore_mem>>) src(%dma_wait3A_430 : memref<16x1024xf32, #tpu.memory_space<vmem>>) dst(%dma_wait3A_426 : memref<16x1024xf32, #tpu.memory_space<hbm>>)
      %add3A_431 = arith.constant 3 : i32
      %add3A_432 = arith.addi %add3A_385, %add3A_431 : i32
      %mul3A_433 = arith.constant 16 : i32
      %mul3A_434 = arith.muli %add3A_432, %mul3A_433 : i32
      %multiple_of3A_435 = tpu.assume_multiple %mul3A_434, 16 : i32
      %dma_start3A_436 = arith.constant 2 : i32
      %dma_start3A_437 = arith.constant 0 : i32
      %dma_start3A_438 = arith.constant 0 : i32
      %dma_start3A_439 = tpu.memref_slice %arg6[%dma_start3A_436, %dma_start3A_437, %dma_start3A_438] : memref<4x16x1024xf32, #tpu.memory_space<vmem>> -> memref<1x16x1024xf32, #tpu.memory_space<vmem>>
      %dma_start3A_440 = tpu.memref_squeeze %dma_start3A_439 : memref<1x16x1024xf32, #tpu.memory_space<vmem>> -> memref<16x1024xf32, #tpu.memory_space<vmem>>
      %dma_start3A_441 = tpu.memref_slice %arg5[%multiple_of3A_435] : memref<1024xi32, #tpu.memory_space<vmem>> -> memref<16xi32, #tpu.memory_space<vmem>>
      %dma_start3A_442 = arith.constant 0 : i32
      %dma_start3A_443 = arith.constant 0 : i32
      %dma_start3A_444 = tpu.memref_slice %arg3[%dma_start3A_442, %dma_start3A_443] : memref<100001x1024xf32, #tpu.memory_space<hbm>> -> memref<100001x1024xf32, #tpu.memory_space<hbm>>
      tpu.enqueue_indirect_dma source(%dma_start3A_444 : memref<100001x1024xf32, #tpu.memory_space<hbm>>) target(%dma_start3A_440 : memref<16x1024xf32, #tpu.memory_space<vmem>>) offsets(%dma_start3A_441 : memref<16xi32, #tpu.memory_space<vmem>>) semaphore(%arg9 : memref<!tpu.dma_semaphore, #tpu.memory_space<semaphore_mem>>)
      %add3A_445 = arith.constant 3 : i32
      %add3A_446 = arith.addi %add3A_261, %add3A_445 : i32
      %dma_wait3A_447 = arith.constant 0 : i32
      %dma_wait3A_448 = arith.constant 0 : i32
      %dma_wait3A_449 = arith.constant 0 : i32
      %dma_wait3A_450 = tpu.memref_slice %arg6[%dma_wait3A_447, %dma_wait3A_448, %dma_wait3A_449] : memref<4x16x1024xf32, #tpu.memory_space<vmem>> -> memref<1x16x1024xf32, #tpu.memory_space<vmem>>
      %dma_wait3A_451 = tpu.memref_squeeze %dma_wait3A_450 : memref<1x16x1024xf32, #tpu.memory_space<vmem>> -> memref<16x1024xf32, #tpu.memory_space<vmem>>
      %dma_wait3A_452 = arith.constant 0 : i32
      %dma_wait3A_453 = arith.constant 0 : i32
      %dma_wait3A_454 = tpu.memref_slice %arg3[%dma_wait3A_452, %dma_wait3A_453] : memref<100001x1024xf32, #tpu.memory_space<hbm>> -> memref<16x1024xf32, #tpu.memory_space<hbm>>
      %dma_wait3A_455 = arith.constant 0 : i32
      %dma_wait3A_456 = arith.constant 0 : i32
      %dma_wait3A_457 = tpu.memref_slice %arg6[%dma_wait3A_447, %dma_wait3A_455, %dma_wait3A_456] : memref<4x16x1024xf32, #tpu.memory_space<vmem>> -> memref<1x16x1024xf32, #tpu.memory_space<vmem>>
      %dma_wait3A_458 = tpu.memref_squeeze %dma_wait3A_457 : memref<1x16x1024xf32, #tpu.memory_space<vmem>> -> memref<16x1024xf32, #tpu.memory_space<vmem>>
      %dma_wait3A_459 = arith.constant 0 : i32
      %dma_wait3A_460 = arith.constant 0 : i32
      %dma_wait3A_461 = tpu.memref_slice %arg3[%dma_wait3A_459, %dma_wait3A_460] : memref<100001x1024xf32, #tpu.memory_space<hbm>> -> memref<16x1024xf32, #tpu.memory_space<hbm>>
      tpu.wait_dma2 semaphore(%arg7 : memref<!tpu.dma_semaphore, #tpu.memory_space<semaphore_mem>>) src(%dma_wait3A_461 : memref<16x1024xf32, #tpu.memory_space<hbm>>) dst(%dma_wait3A_458 : memref<16x1024xf32, #tpu.memory_space<vmem>>)
      %mul3A_462 = arith.constant 16 : i32
      %mul3A_463 = arith.muli %add3A_446, %mul3A_462 : i32
      %add3A_464 = arith.addi %mul3A_2, %mul3A_463 : i32
      %multiple_of3A_465 = tpu.assume_multiple %add3A_464, 16 : i32
      %dma_start3A_466 = arith.constant 0 : i32
      %dma_start3A_467 = arith.constant 0 : i32
      %dma_start3A_468 = arith.constant 0 : i32
      %dma_start3A_469 = tpu.memref_slice %arg6[%dma_start3A_466, %dma_start3A_467, %dma_start3A_468] : memref<4x16x1024xf32, #tpu.memory_space<vmem>> -> memref<1x16x1024xf32, #tpu.memory_space<vmem>>
      %dma_start3A_470 = tpu.memref_squeeze %dma_start3A_469 : memref<1x16x1024xf32, #tpu.memory_space<vmem>> -> memref<16x1024xf32, #tpu.memory_space<vmem>>
      %dma_start3A_471 = arith.constant 0 : i32
      %dma_start3A_472 = tpu.memref_slice %arg4[%multiple_of3A_465, %dma_start3A_471] : memref<32768x1024xf32, #tpu.memory_space<hbm>> -> memref<16x1024xf32, #tpu.memory_space<hbm>>
      %dma_start3A_473 = arith.constant 0 : i32
      %dma_start3A_474 = tpu.memref_slice %arg4[%multiple_of3A_465, %dma_start3A_473] : memref<32768x1024xf32, #tpu.memory_space<hbm>> -> memref<16x1024xf32, #tpu.memory_space<hbm>>
      %dma_start3A_475 = arith.constant 0 : i32
      %dma_start3A_476 = arith.constant 0 : i32
      %dma_start3A_477 = tpu.memref_slice %arg6[%dma_start3A_466, %dma_start3A_475, %dma_start3A_476] : memref<4x16x1024xf32, #tpu.memory_space<vmem>> -> memref<1x16x1024xf32, #tpu.memory_space<vmem>>
      %dma_start3A_478 = tpu.memref_squeeze %dma_start3A_477 : memref<1x16x1024xf32, #tpu.memory_space<vmem>> -> memref<16x1024xf32, #tpu.memory_space<vmem>>
      tpu.enqueue_dma source(%dma_start3A_478 : memref<16x1024xf32, #tpu.memory_space<vmem>>) target(%dma_start3A_474 : memref<16x1024xf32, #tpu.memory_space<hbm>>) target_semaphore(%arg11 : memref<!tpu.dma_semaphore, #tpu.memory_space<semaphore_mem>>)
      %dma_wait3A_479 = arith.constant 3 : i32
      %dma_wait3A_480 = arith.constant 0 : i32
      %dma_wait3A_481 = arith.constant 0 : i32
      %dma_wait3A_482 = tpu.memref_slice %arg6[%dma_wait3A_479, %dma_wait3A_480, %dma_wait3A_481] : memref<4x16x1024xf32, #tpu.memory_space<vmem>> -> memref<1x16x1024xf32, #tpu.memory_space<vmem>>
      %dma_wait3A_483 = tpu.memref_squeeze %dma_wait3A_482 : memref<1x16x1024xf32, #tpu.memory_space<vmem>> -> memref<16x1024xf32, #tpu.memory_space<vmem>>
      %dma_wait3A_484 = arith.constant 0 : i32
      %dma_wait3A_485 = tpu.memref_slice %arg4[%mul3A_2, %dma_wait3A_484] : memref<32768x1024xf32, #tpu.memory_space<hbm>> -> memref<16x1024xf32, #tpu.memory_space<hbm>>
      %dma_wait3A_486 = arith.constant 0 : i32
      %dma_wait3A_487 = tpu.memref_slice %arg4[%mul3A_2, %dma_wait3A_486] : memref<32768x1024xf32, #tpu.memory_space<hbm>> -> memref<16x1024xf32, #tpu.memory_space<hbm>>
      %dma_wait3A_488 = arith.constant 0 : i32
      %dma_wait3A_489 = arith.constant 0 : i32
      %dma_wait3A_490 = tpu.memref_slice %arg6[%dma_wait3A_479, %dma_wait3A_488, %dma_wait3A_489] : memref<4x16x1024xf32, #tpu.memory_space<vmem>> -> memref<1x16x1024xf32, #tpu.memory_space<vmem>>
      %dma_wait3A_491 = tpu.memref_squeeze %dma_wait3A_490 : memref<1x16x1024xf32, #tpu.memory_space<vmem>> -> memref<16x1024xf32, #tpu.memory_space<vmem>>
      tpu.wait_dma2 semaphore(%arg14 : memref<!tpu.dma_semaphore, #tpu.memory_space<semaphore_mem>>) src(%dma_wait3A_491 : memref<16x1024xf32, #tpu.memory_space<vmem>>) dst(%dma_wait3A_487 : memref<16x1024xf32, #tpu.memory_space<hbm>>)
      %add3A_492 = arith.constant 3 : i32
      %add3A_493 = arith.addi %add3A_446, %add3A_492 : i32
      %mul3A_494 = arith.constant 16 : i32
      %mul3A_495 = arith.muli %add3A_493, %mul3A_494 : i32
      %multiple_of3A_496 = tpu.assume_multiple %mul3A_495, 16 : i32
      %dma_start3A_497 = arith.constant 3 : i32
      %dma_start3A_498 = arith.constant 0 : i32
      %dma_start3A_499 = arith.constant 0 : i32
      %dma_start3A_500 = tpu.memref_slice %arg6[%dma_start3A_497, %dma_start3A_498, %dma_start3A_499] : memref<4x16x1024xf32, #tpu.memory_space<vmem>> -> memref<1x16x1024xf32, #tpu.memory_space<vmem>>
      %dma_start3A_501 = tpu.memref_squeeze %dma_start3A_500 : memref<1x16x1024xf32, #tpu.memory_space<vmem>> -> memref<16x1024xf32, #tpu.memory_space<vmem>>
      %dma_start3A_502 = tpu.memref_slice %arg5[%multiple_of3A_496] : memref<1024xi32, #tpu.memory_space<vmem>> -> memref<16xi32, #tpu.memory_space<vmem>>
      %dma_start3A_503 = arith.constant 0 : i32
      %dma_start3A_504 = arith.constant 0 : i32
      %dma_start3A_505 = tpu.memref_slice %arg3[%dma_start3A_503, %dma_start3A_504] : memref<100001x1024xf32, #tpu.memory_space<hbm>> -> memref<100001x1024xf32, #tpu.memory_space<hbm>>
      tpu.enqueue_indirect_dma source(%dma_start3A_505 : memref<100001x1024xf32, #tpu.memory_space<hbm>>) target(%dma_start3A_501 : memref<16x1024xf32, #tpu.memory_space<vmem>>) offsets(%dma_start3A_502 : memref<16xi32, #tpu.memory_space<vmem>>) semaphore(%arg10 : memref<!tpu.dma_semaphore, #tpu.memory_space<semaphore_mem>>)
    }
    %scan3A_111 = arith.constant 15 : i32
    %dma_wait3A_112 = arith.constant 1 : i32
    %dma_wait3A_113 = arith.constant 0 : i32
    %dma_wait3A_114 = arith.constant 0 : i32
    %dma_wait3A_115 = tpu.memref_slice %arg6[%dma_wait3A_112, %dma_wait3A_113, %dma_wait3A_114] : memref<4x16x1024xf32, #tpu.memory_space<vmem>> -> memref<1x16x1024xf32, #tpu.memory_space<vmem>>
    %dma_wait3A_116 = tpu.memref_squeeze %dma_wait3A_115 : memref<1x16x1024xf32, #tpu.memory_space<vmem>> -> memref<16x1024xf32, #tpu.memory_space<vmem>>
    %dma_wait3A_117 = arith.constant 0 : i32
    %dma_wait3A_118 = arith.constant 0 : i32
    %dma_wait3A_119 = tpu.memref_slice %arg3[%dma_wait3A_117, %dma_wait3A_118] : memref<100001x1024xf32, #tpu.memory_space<hbm>> -> memref<16x1024xf32, #tpu.memory_space<hbm>>
    %dma_wait3A_120 = arith.constant 0 : i32
    %dma_wait3A_121 = arith.constant 0 : i32
    %dma_wait3A_122 = tpu.memref_slice %arg6[%dma_wait3A_112, %dma_wait3A_120, %dma_wait3A_121] : memref<4x16x1024xf32, #tpu.memory_space<vmem>> -> memref<1x16x1024xf32, #tpu.memory_space<vmem>>
    %dma_wait3A_123 = tpu.memref_squeeze %dma_wait3A_122 : memref<1x16x1024xf32, #tpu.memory_space<vmem>> -> memref<16x1024xf32, #tpu.memory_space<vmem>>
    %dma_wait3A_124 = arith.constant 0 : i32
    %dma_wait3A_125 = arith.constant 0 : i32
    %dma_wait3A_126 = tpu.memref_slice %arg3[%dma_wait3A_124, %dma_wait3A_125] : memref<100001x1024xf32, #tpu.memory_space<hbm>> -> memref<16x1024xf32, #tpu.memory_space<hbm>>
    tpu.wait_dma2 semaphore(%arg8 : memref<!tpu.dma_semaphore, #tpu.memory_space<semaphore_mem>>) src(%dma_wait3A_126 : memref<16x1024xf32, #tpu.memory_space<hbm>>) dst(%dma_wait3A_123 : memref<16x1024xf32, #tpu.memory_space<vmem>>)
    %add3A_127 = arith.constant 976 : i32
    %add3A_128 = arith.addi %mul3A_2, %add3A_127 : i32
    %multiple_of3A_129 = tpu.assume_multiple %add3A_128, 16 : i32
    %dma_start3A_130 = arith.constant 1 : i32
    %dma_start3A_131 = arith.constant 0 : i32
    %dma_start3A_132 = arith.constant 0 : i32
    %dma_start3A_133 = tpu.memref_slice %arg6[%dma_start3A_130, %dma_start3A_131, %dma_start3A_132] : memref<4x16x1024xf32, #tpu.memory_space<vmem>> -> memref<1x16x1024xf32, #tpu.memory_space<vmem>>
    %dma_start3A_134 = tpu.memref_squeeze %dma_start3A_133 : memref<1x16x1024xf32, #tpu.memory_space<vmem>> -> memref<16x1024xf32, #tpu.memory_space<vmem>>
    %dma_start3A_135 = arith.constant 0 : i32
    %dma_start3A_136 = tpu.memref_slice %arg4[%multiple_of3A_129, %dma_start3A_135] : memref<32768x1024xf32, #tpu.memory_space<hbm>> -> memref<16x1024xf32, #tpu.memory_space<hbm>>
    %dma_start3A_137 = arith.constant 0 : i32
    %dma_start3A_138 = tpu.memref_slice %arg4[%multiple_of3A_129, %dma_start3A_137] : memref<32768x1024xf32, #tpu.memory_space<hbm>> -> memref<16x1024xf32, #tpu.memory_space<hbm>>
    %dma_start3A_139 = arith.constant 0 : i32
    %dma_start3A_140 = arith.constant 0 : i32
    %dma_start3A_141 = tpu.memref_slice %arg6[%dma_start3A_130, %dma_start3A_139, %dma_start3A_140] : memref<4x16x1024xf32, #tpu.memory_space<vmem>> -> memref<1x16x1024xf32, #tpu.memory_space<vmem>>
    %dma_start3A_142 = tpu.memref_squeeze %dma_start3A_141 : memref<1x16x1024xf32, #tpu.memory_space<vmem>> -> memref<16x1024xf32, #tpu.memory_space<vmem>>
    tpu.enqueue_dma source(%dma_start3A_142 : memref<16x1024xf32, #tpu.memory_space<vmem>>) target(%dma_start3A_138 : memref<16x1024xf32, #tpu.memory_space<hbm>>) target_semaphore(%arg12 : memref<!tpu.dma_semaphore, #tpu.memory_space<semaphore_mem>>)
    %dma_wait3A_143 = arith.constant 2 : i32
    %dma_wait3A_144 = arith.constant 0 : i32
    %dma_wait3A_145 = arith.constant 0 : i32
    %dma_wait3A_146 = tpu.memref_slice %arg6[%dma_wait3A_143, %dma_wait3A_144, %dma_wait3A_145] : memref<4x16x1024xf32, #tpu.memory_space<vmem>> -> memref<1x16x1024xf32, #tpu.memory_space<vmem>>
    %dma_wait3A_147 = tpu.memref_squeeze %dma_wait3A_146 : memref<1x16x1024xf32, #tpu.memory_space<vmem>> -> memref<16x1024xf32, #tpu.memory_space<vmem>>
    %dma_wait3A_148 = arith.constant 0 : i32
    %dma_wait3A_149 = arith.constant 0 : i32
    %dma_wait3A_150 = tpu.memref_slice %arg3[%dma_wait3A_148, %dma_wait3A_149] : memref<100001x1024xf32, #tpu.memory_space<hbm>> -> memref<16x1024xf32, #tpu.memory_space<hbm>>
    %dma_wait3A_151 = arith.constant 0 : i32
    %dma_wait3A_152 = arith.constant 0 : i32
    %dma_wait3A_153 = tpu.memref_slice %arg6[%dma_wait3A_143, %dma_wait3A_151, %dma_wait3A_152] : memref<4x16x1024xf32, #tpu.memory_space<vmem>> -> memref<1x16x1024xf32, #tpu.memory_space<vmem>>
    %dma_wait3A_154 = tpu.memref_squeeze %dma_wait3A_153 : memref<1x16x1024xf32, #tpu.memory_space<vmem>> -> memref<16x1024xf32, #tpu.memory_space<vmem>>
    %dma_wait3A_155 = arith.constant 0 : i32
    %dma_wait3A_156 = arith.constant 0 : i32
    %dma_wait3A_157 = tpu.memref_slice %arg3[%dma_wait3A_155, %dma_wait3A_156] : memref<100001x1024xf32, #tpu.memory_space<hbm>> -> memref<16x1024xf32, #tpu.memory_space<hbm>>
    tpu.wait_dma2 semaphore(%arg9 : memref<!tpu.dma_semaphore, #tpu.memory_space<semaphore_mem>>) src(%dma_wait3A_157 : memref<16x1024xf32, #tpu.memory_space<hbm>>) dst(%dma_wait3A_154 : memref<16x1024xf32, #tpu.memory_space<vmem>>)
    %add3A_158 = arith.constant 992 : i32
    %add3A_159 = arith.addi %mul3A_2, %add3A_158 : i32
    %multiple_of3A_160 = tpu.assume_multiple %add3A_159, 16 : i32
    %dma_start3A_161 = arith.constant 2 : i32
    %dma_start3A_162 = arith.constant 0 : i32
    %dma_start3A_163 = arith.constant 0 : i32
    %dma_start3A_164 = tpu.memref_slice %arg6[%dma_start3A_161, %dma_start3A_162, %dma_start3A_163] : memref<4x16x1024xf32, #tpu.memory_space<vmem>> -> memref<1x16x1024xf32, #tpu.memory_space<vmem>>
    %dma_start3A_165 = tpu.memref_squeeze %dma_start3A_164 : memref<1x16x1024xf32, #tpu.memory_space<vmem>> -> memref<16x1024xf32, #tpu.memory_space<vmem>>
    %dma_start3A_166 = arith.constant 0 : i32
    %dma_start3A_167 = tpu.memref_slice %arg4[%multiple_of3A_160, %dma_start3A_166] : memref<32768x1024xf32, #tpu.memory_space<hbm>> -> memref<16x1024xf32, #tpu.memory_space<hbm>>
    %dma_start3A_168 = arith.constant 0 : i32
    %dma_start3A_169 = tpu.memref_slice %arg4[%multiple_of3A_160, %dma_start3A_168] : memref<32768x1024xf32, #tpu.memory_space<hbm>> -> memref<16x1024xf32, #tpu.memory_space<hbm>>
    %dma_start3A_170 = arith.constant 0 : i32
    %dma_start3A_171 = arith.constant 0 : i32
    %dma_start3A_172 = tpu.memref_slice %arg6[%dma_start3A_161, %dma_start3A_170, %dma_start3A_171] : memref<4x16x1024xf32, #tpu.memory_space<vmem>> -> memref<1x16x1024xf32, #tpu.memory_space<vmem>>
    %dma_start3A_173 = tpu.memref_squeeze %dma_start3A_172 : memref<1x16x1024xf32, #tpu.memory_space<vmem>> -> memref<16x1024xf32, #tpu.memory_space<vmem>>
    tpu.enqueue_dma source(%dma_start3A_173 : memref<16x1024xf32, #tpu.memory_space<vmem>>) target(%dma_start3A_169 : memref<16x1024xf32, #tpu.memory_space<hbm>>) target_semaphore(%arg13 : memref<!tpu.dma_semaphore, #tpu.memory_space<semaphore_mem>>)
    %dma_wait3A_174 = arith.constant 3 : i32
    %dma_wait3A_175 = arith.constant 0 : i32
    %dma_wait3A_176 = arith.constant 0 : i32
    %dma_wait3A_177 = tpu.memref_slice %arg6[%dma_wait3A_174, %dma_wait3A_175, %dma_wait3A_176] : memref<4x16x1024xf32, #tpu.memory_space<vmem>> -> memref<1x16x1024xf32, #tpu.memory_space<vmem>>
    %dma_wait3A_178 = tpu.memref_squeeze %dma_wait3A_177 : memref<1x16x1024xf32, #tpu.memory_space<vmem>> -> memref<16x1024xf32, #tpu.memory_space<vmem>>
    %dma_wait3A_179 = arith.constant 0 : i32
    %dma_wait3A_180 = arith.constant 0 : i32
    %dma_wait3A_181 = tpu.memref_slice %arg3[%dma_wait3A_179, %dma_wait3A_180] : memref<100001x1024xf32, #tpu.memory_space<hbm>> -> memref<16x1024xf32, #tpu.memory_space<hbm>>
    %dma_wait3A_182 = arith.constant 0 : i32
    %dma_wait3A_183 = arith.constant 0 : i32
    %dma_wait3A_184 = tpu.memref_slice %arg6[%dma_wait3A_174, %dma_wait3A_182, %dma_wait3A_183] : memref<4x16x1024xf32, #tpu.memory_space<vmem>> -> memref<1x16x1024xf32, #tpu.memory_space<vmem>>
    %dma_wait3A_185 = tpu.memref_squeeze %dma_wait3A_184 : memref<1x16x1024xf32, #tpu.memory_space<vmem>> -> memref<16x1024xf32, #tpu.memory_space<vmem>>
    %dma_wait3A_186 = arith.constant 0 : i32
    %dma_wait3A_187 = arith.constant 0 : i32
    %dma_wait3A_188 = tpu.memref_slice %arg3[%dma_wait3A_186, %dma_wait3A_187] : memref<100001x1024xf32, #tpu.memory_space<hbm>> -> memref<16x1024xf32, #tpu.memory_space<hbm>>
    tpu.wait_dma2 semaphore(%arg10 : memref<!tpu.dma_semaphore, #tpu.memory_space<semaphore_mem>>) src(%dma_wait3A_188 : memref<16x1024xf32, #tpu.memory_space<hbm>>) dst(%dma_wait3A_185 : memref<16x1024xf32, #tpu.memory_space<vmem>>)
    %add3A_189 = arith.constant 1008 : i32
    %add3A_190 = arith.addi %mul3A_2, %add3A_189 : i32
    %multiple_of3A_191 = tpu.assume_multiple %add3A_190, 16 : i32
    %dma_start3A_192 = arith.constant 3 : i32
    %dma_start3A_193 = arith.constant 0 : i32
    %dma_start3A_194 = arith.constant 0 : i32
    %dma_start3A_195 = tpu.memref_slice %arg6[%dma_start3A_192, %dma_start3A_193, %dma_start3A_194] : memref<4x16x1024xf32, #tpu.memory_space<vmem>> -> memref<1x16x1024xf32, #tpu.memory_space<vmem>>
    %dma_start3A_196 = tpu.memref_squeeze %dma_start3A_195 : memref<1x16x1024xf32, #tpu.memory_space<vmem>> -> memref<16x1024xf32, #tpu.memory_space<vmem>>
    %dma_start3A_197 = arith.constant 0 : i32
    %dma_start3A_198 = tpu.memref_slice %arg4[%multiple_of3A_191, %dma_start3A_197] : memref<32768x1024xf32, #tpu.memory_space<hbm>> -> memref<16x1024xf32, #tpu.memory_space<hbm>>
    %dma_start3A_199 = arith.constant 0 : i32
    %dma_start3A_200 = tpu.memref_slice %arg4[%multiple_of3A_191, %dma_start3A_199] : memref<32768x1024xf32, #tpu.memory_space<hbm>> -> memref<16x1024xf32, #tpu.memory_space<hbm>>
    %dma_start3A_201 = arith.constant 0 : i32
    %dma_start3A_202 = arith.constant 0 : i32
    %dma_start3A_203 = tpu.memref_slice %arg6[%dma_start3A_192, %dma_start3A_201, %dma_start3A_202] : memref<4x16x1024xf32, #tpu.memory_space<vmem>> -> memref<1x16x1024xf32, #tpu.memory_space<vmem>>
    %dma_start3A_204 = tpu.memref_squeeze %dma_start3A_203 : memref<1x16x1024xf32, #tpu.memory_space<vmem>> -> memref<16x1024xf32, #tpu.memory_space<vmem>>
    tpu.enqueue_dma source(%dma_start3A_204 : memref<16x1024xf32, #tpu.memory_space<vmem>>) target(%dma_start3A_200 : memref<16x1024xf32, #tpu.memory_space<hbm>>) target_semaphore(%arg14 : memref<!tpu.dma_semaphore, #tpu.memory_space<semaphore_mem>>)
    %dma_wait3A_205 = arith.constant 0 : i32
    %dma_wait3A_206 = arith.constant 0 : i32
    %dma_wait3A_207 = arith.constant 0 : i32
    %dma_wait3A_208 = tpu.memref_slice %arg6[%dma_wait3A_205, %dma_wait3A_206, %dma_wait3A_207] : memref<4x16x1024xf32, #tpu.memory_space<vmem>> -> memref<1x16x1024xf32, #tpu.memory_space<vmem>>
    %dma_wait3A_209 = tpu.memref_squeeze %dma_wait3A_208 : memref<1x16x1024xf32, #tpu.memory_space<vmem>> -> memref<16x1024xf32, #tpu.memory_space<vmem>>
    %dma_wait3A_210 = arith.constant 0 : i32
    %dma_wait3A_211 = tpu.memref_slice %arg4[%mul3A_2, %dma_wait3A_210] : memref<32768x1024xf32, #tpu.memory_space<hbm>> -> memref<16x1024xf32, #tpu.memory_space<hbm>>
    %dma_wait3A_212 = arith.constant 0 : i32
    %dma_wait3A_213 = tpu.memref_slice %arg4[%mul3A_2, %dma_wait3A_212] : memref<32768x1024xf32, #tpu.memory_space<hbm>> -> memref<16x1024xf32, #tpu.memory_space<hbm>>
    %dma_wait3A_214 = arith.constant 0 : i32
    %dma_wait3A_215 = arith.constant 0 : i32
    %dma_wait3A_216 = tpu.memref_slice %arg6[%dma_wait3A_205, %dma_wait3A_214, %dma_wait3A_215] : memref<4x16x1024xf32, #tpu.memory_space<vmem>> -> memref<1x16x1024xf32, #tpu.memory_space<vmem>>
    %dma_wait3A_217 = tpu.memref_squeeze %dma_wait3A_216 : memref<1x16x1024xf32, #tpu.memory_space<vmem>> -> memref<16x1024xf32, #tpu.memory_space<vmem>>
    tpu.wait_dma2 semaphore(%arg11 : memref<!tpu.dma_semaphore, #tpu.memory_space<semaphore_mem>>) src(%dma_wait3A_217 : memref<16x1024xf32, #tpu.memory_space<vmem>>) dst(%dma_wait3A_213 : memref<16x1024xf32, #tpu.memory_space<hbm>>)
    %dma_wait3A_218 = arith.constant 1 : i32
    %dma_wait3A_219 = arith.constant 0 : i32
    %dma_wait3A_220 = arith.constant 0 : i32
    %dma_wait3A_221 = tpu.memref_slice %arg6[%dma_wait3A_218, %dma_wait3A_219, %dma_wait3A_220] : memref<4x16x1024xf32, #tpu.memory_space<vmem>> -> memref<1x16x1024xf32, #tpu.memory_space<vmem>>
    %dma_wait3A_222 = tpu.memref_squeeze %dma_wait3A_221 : memref<1x16x1024xf32, #tpu.memory_space<vmem>> -> memref<16x1024xf32, #tpu.memory_space<vmem>>
    %dma_wait3A_223 = arith.constant 0 : i32
    %dma_wait3A_224 = tpu.memref_slice %arg4[%mul3A_2, %dma_wait3A_223] : memref<32768x1024xf32, #tpu.memory_space<hbm>> -> memref<16x1024xf32, #tpu.memory_space<hbm>>
    %dma_wait3A_225 = arith.constant 0 : i32
    %dma_wait3A_226 = tpu.memref_slice %arg4[%mul3A_2, %dma_wait3A_225] : memref<32768x1024xf32, #tpu.memory_space<hbm>> -> memref<16x1024xf32, #tpu.memory_space<hbm>>
    %dma_wait3A_227 = arith.constant 0 : i32
    %dma_wait3A_228 = arith.constant 0 : i32
    %dma_wait3A_229 = tpu.memref_slice %arg6[%dma_wait3A_218, %dma_wait3A_227, %dma_wait3A_228] : memref<4x16x1024xf32, #tpu.memory_space<vmem>> -> memref<1x16x1024xf32, #tpu.memory_space<vmem>>
    %dma_wait3A_230 = tpu.memref_squeeze %dma_wait3A_229 : memref<1x16x1024xf32, #tpu.memory_space<vmem>> -> memref<16x1024xf32, #tpu.memory_space<vmem>>
    tpu.wait_dma2 semaphore(%arg12 : memref<!tpu.dma_semaphore, #tpu.memory_space<semaphore_mem>>) src(%dma_wait3A_230 : memref<16x1024xf32, #tpu.memory_space<vmem>>) dst(%dma_wait3A_226 : memref<16x1024xf32, #tpu.memory_space<hbm>>)
    %dma_wait3A_231 = arith.constant 2 : i32
    %dma_wait3A_232 = arith.constant 0 : i32
    %dma_wait3A_233 = arith.constant 0 : i32
    %dma_wait3A_234 = tpu.memref_slice %arg6[%dma_wait3A_231, %dma_wait3A_232, %dma_wait3A_233] : memref<4x16x1024xf32, #tpu.memory_space<vmem>> -> memref<1x16x1024xf32, #tpu.memory_space<vmem>>
    %dma_wait3A_235 = tpu.memref_squeeze %dma_wait3A_234 : memref<1x16x1024xf32, #tpu.memory_space<vmem>> -> memref<16x1024xf32, #tpu.memory_space<vmem>>
    %dma_wait3A_236 = arith.constant 0 : i32
    %dma_wait3A_237 = tpu.memref_slice %arg4[%mul3A_2, %dma_wait3A_236] : memref<32768x1024xf32, #tpu.memory_space<hbm>> -> memref<16x1024xf32, #tpu.memory_space<hbm>>
    %dma_wait3A_238 = arith.constant 0 : i32
    %dma_wait3A_239 = tpu.memref_slice %arg4[%mul3A_2, %dma_wait3A_238] : memref<32768x1024xf32, #tpu.memory_space<hbm>> -> memref<16x1024xf32, #tpu.memory_space<hbm>>
    %dma_wait3A_240 = arith.constant 0 : i32
    %dma_wait3A_241 = arith.constant 0 : i32
    %dma_wait3A_242 = tpu.memref_slice %arg6[%dma_wait3A_231, %dma_wait3A_240, %dma_wait3A_241] : memref<4x16x1024xf32, #tpu.memory_space<vmem>> -> memref<1x16x1024xf32, #tpu.memory_space<vmem>>
    %dma_wait3A_243 = tpu.memref_squeeze %dma_wait3A_242 : memref<1x16x1024xf32, #tpu.memory_space<vmem>> -> memref<16x1024xf32, #tpu.memory_space<vmem>>
    tpu.wait_dma2 semaphore(%arg13 : memref<!tpu.dma_semaphore, #tpu.memory_space<semaphore_mem>>) src(%dma_wait3A_243 : memref<16x1024xf32, #tpu.memory_space<vmem>>) dst(%dma_wait3A_239 : memref<16x1024xf32, #tpu.memory_space<hbm>>)
    %dma_wait3A_244 = arith.constant 3 : i32
    %dma_wait3A_245 = arith.constant 0 : i32
    %dma_wait3A_246 = arith.constant 0 : i32
    %dma_wait3A_247 = tpu.memref_slice %arg6[%dma_wait3A_244, %dma_wait3A_245, %dma_wait3A_246] : memref<4x16x1024xf32, #tpu.memory_space<vmem>> -> memref<1x16x1024xf32, #tpu.memory_space<vmem>>
    %dma_wait3A_248 = tpu.memref_squeeze %dma_wait3A_247 : memref<1x16x1024xf32, #tpu.memory_space<vmem>> -> memref<16x1024xf32, #tpu.memory_space<vmem>>
    %dma_wait3A_249 = arith.constant 0 : i32
    %dma_wait3A_250 = tpu.memref_slice %arg4[%mul3A_2, %dma_wait3A_249] : memref<32768x1024xf32, #tpu.memory_space<hbm>> -> memref<16x1024xf32, #tpu.memory_space<hbm>>
    %dma_wait3A_251 = arith.constant 0 : i32
    %dma_wait3A_252 = tpu.memref_slice %arg4[%mul3A_2, %dma_wait3A_251] : memref<32768x1024xf32, #tpu.memory_space<hbm>> -> memref<16x1024xf32, #tpu.memory_space<hbm>>
    %dma_wait3A_253 = arith.constant 0 : i32
    %dma_wait3A_254 = arith.constant 0 : i32
    %dma_wait3A_255 = tpu.memref_slice %arg6[%dma_wait3A_244, %dma_wait3A_253, %dma_wait3A_254] : memref<4x16x1024xf32, #tpu.memory_space<vmem>> -> memref<1x16x1024xf32, #tpu.memory_space<vmem>>
    %dma_wait3A_256 = tpu.memref_squeeze %dma_wait3A_255 : memref<1x16x1024xf32, #tpu.memory_space<vmem>> -> memref<16x1024xf32, #tpu.memory_space<vmem>>
    tpu.wait_dma2 semaphore(%arg14 : memref<!tpu.dma_semaphore, #tpu.memory_space<semaphore_mem>>) src(%dma_wait3A_256 : memref<16x1024xf32, #tpu.memory_space<vmem>>) dst(%dma_wait3A_252 : memref<16x1024xf32, #tpu.memory_space<hbm>>)
    return
  }
}

module attributes {stable_mosaic.version = 14 : i64} {
  func.func @_pos_body(%arg0: memref<4096x128xf32, #tpu.memory_space<vmem>>) attributes {dimension_semantics = [], scalar_prefetch = 0 : i64, scratch_operands = 0 : i64, tpu.core_type = #tpu.core_type<tc>} {
    %iota3A = tpu.iota {dimensions = array<i32: 0>} : vector<4096x128xi32>
    %iota3A_0 = tpu.iota {dimensions = array<i32: 1>} : vector<4096x128xi32>
    %mul3A = arith.constant 2 : i32
    %mul3A_1 = vector.broadcast %mul3A : i32 to vector<4096x128xi32>
    %mul3A_2 = arith.muli %mul3A_1, %iota3A : vector<4096x128xi32>
    %jit3A = arith.constant 64 : i32
    %div3A = vector.broadcast %jit3A : i32 to vector<4096x128xi32>
    %div3A_3 = arith.divsi %iota3A_0, %div3A : vector<4096x128xi32>
    %sign3A = arith.constant 0 : i32
    %sign3A_4 = vector.broadcast %sign3A : i32 to vector<4096x128xi32>
    %sign3A_5 = arith.cmpi sgt, %iota3A_0, %sign3A_4 : vector<4096x128xi32>
    %sign3A_6 = arith.extui %sign3A_5 : vector<4096x128xi1> to vector<4096x128xi32>
    %sign3A_7 = arith.constant 0 : i32
    %sign3A_8 = vector.broadcast %sign3A_7 : i32 to vector<4096x128xi32>
    %sign3A_9 = arith.cmpi slt, %iota3A_0, %sign3A_8 : vector<4096x128xi32>
    %sign3A_10 = arith.extui %sign3A_9 : vector<4096x128xi1> to vector<4096x128xi32>
    %sign3A_11 = arith.subi %sign3A_6, %sign3A_10 : vector<4096x128xi32>
    %sign3A_12 = arith.constant 0 : i32
    %sign3A_13 = arith.cmpi sgt, %jit3A, %sign3A_12 : i32
    %sign3A_14 = arith.extui %sign3A_13 : i1 to i32
    %sign3A_15 = arith.constant 0 : i32
    %sign3A_16 = arith.cmpi slt, %jit3A, %sign3A_15 : i32
    %sign3A_17 = arith.extui %sign3A_16 : i1 to i32
    %sign3A_18 = arith.subi %sign3A_14, %sign3A_17 : i32
    %ne3A = vector.broadcast %sign3A_18 : i32 to vector<4096x128xi32>
    %ne3A_19 = arith.cmpi ne, %sign3A_11, %ne3A : vector<4096x128xi32>
    %rem3A = vector.broadcast %jit3A : i32 to vector<4096x128xi32>
    %rem3A_20 = arith.remsi %iota3A_0, %rem3A : vector<4096x128xi32>
    %ne3A_21 = arith.constant 0 : i32
    %ne3A_22 = vector.broadcast %ne3A_21 : i32 to vector<4096x128xi32>
    %ne3A_23 = arith.cmpi ne, %rem3A_20, %ne3A_22 : vector<4096x128xi32>
    %and3A = arith.andi %ne3A_19, %ne3A_23 : vector<4096x128xi1>
    %sub3A = arith.constant 1 : i32
    %sub3A_24 = vector.broadcast %sub3A : i32 to vector<4096x128xi32>
    %sub3A_25 = arith.subi %div3A_3, %sub3A_24 : vector<4096x128xi32>
    %select_n3A = arith.select %and3A, %sub3A_25, %div3A_3 : vector<4096x128xi1>, vector<4096x128xi32>
    %add3A = arith.addi %mul3A_2, %select_n3A : vector<4096x128xi32>
    %convert_element_type3A = arith.sitofp %add3A : vector<4096x128xi32> to vector<4096x128xf32>
    %jit3A_26 = arith.constant 32 : i32
    %eq3A = arith.constant 0 : i32
    %eq3A_27 = arith.cmpi eq, %jit3A_26, %eq3A : i32
    %jit3A_28 = arith.constant 1 : i32
    %select_n3A_29 = arith.select %eq3A_27, %jit3A_28, %jit3A_26 : i32
    %rem3A_30 = vector.broadcast %select_n3A_29 : i32 to vector<4096x128xi32>
    %rem3A_31 = arith.remsi %iota3A_0, %rem3A_30 : vector<4096x128xi32>
    %ne3A_32 = arith.constant 0 : i32
    %ne3A_33 = vector.broadcast %ne3A_32 : i32 to vector<4096x128xi32>
    %ne3A_34 = arith.cmpi ne, %rem3A_31, %ne3A_33 : vector<4096x128xi32>
    %lt3A = arith.constant 0 : i32
    %lt3A_35 = vector.broadcast %lt3A : i32 to vector<4096x128xi32>
    %lt3A_36 = arith.cmpi slt, %rem3A_31, %lt3A_35 : vector<4096x128xi32>
    %lt3A_37 = arith.constant 0 : i32
    %lt3A_38 = arith.cmpi slt, %select_n3A_29, %lt3A_37 : i32
    %ne3A_39 = vector.broadcast %lt3A_38 : i1 to vector<4096x128xi1>
    %ne3A_40 = vector.broadcast %ne3A_39 : vector<4096x128xi1> to vector<4096x128xi1>
    %ne3A_41 = arith.xori %lt3A_36, %ne3A_40 : vector<4096x128xi1>
    %and3A_42 = arith.andi %ne3A_41, %ne3A_34 : vector<4096x128xi1>
    %add3A_43 = vector.broadcast %select_n3A_29 : i32 to vector<4096x128xi32>
    %add3A_44 = arith.addi %rem3A_31, %add3A_43 : vector<4096x128xi32>
    %select_n3A_45 = arith.select %and3A_42, %add3A_44, %rem3A_31 : vector<4096x128xi1>, vector<4096x128xi32>
    %convert_element_type3A_46 = arith.sitofp %select_n3A_45 : vector<4096x128xi32> to vector<4096x128xf32>
    %jit3A_47 = arith.constant 64 : i32
    %eq3A_48 = arith.constant 0 : i32
    %eq3A_49 = arith.cmpi eq, %jit3A_47, %eq3A_48 : i32
    %jit3A_50 = arith.constant 1 : i32
    %select_n3A_51 = arith.select %eq3A_49, %jit3A_50, %jit3A_47 : i32
    %rem3A_52 = vector.broadcast %select_n3A_51 : i32 to vector<4096x128xi32>
    %rem3A_53 = arith.remsi %iota3A_0, %rem3A_52 : vector<4096x128xi32>
    %ne3A_54 = arith.constant 0 : i32
    %ne3A_55 = vector.broadcast %ne3A_54 : i32 to vector<4096x128xi32>
    %ne3A_56 = arith.cmpi ne, %rem3A_53, %ne3A_55 : vector<4096x128xi32>
    %lt3A_57 = arith.constant 0 : i32
    %lt3A_58 = vector.broadcast %lt3A_57 : i32 to vector<4096x128xi32>
    %lt3A_59 = arith.cmpi slt, %rem3A_53, %lt3A_58 : vector<4096x128xi32>
    %lt3A_60 = arith.constant 0 : i32
    %lt3A_61 = arith.cmpi slt, %select_n3A_51, %lt3A_60 : i32
    %ne3A_62 = vector.broadcast %lt3A_61 : i1 to vector<4096x128xi1>
    %ne3A_63 = vector.broadcast %ne3A_62 : vector<4096x128xi1> to vector<4096x128xi1>
    %ne3A_64 = arith.xori %lt3A_59, %ne3A_63 : vector<4096x128xi1>
    %and3A_65 = arith.andi %ne3A_64, %ne3A_56 : vector<4096x128xi1>
    %add3A_66 = vector.broadcast %select_n3A_51 : i32 to vector<4096x128xi32>
    %add3A_67 = arith.addi %rem3A_53, %add3A_66 : vector<4096x128xi32>
    %select_n3A_68 = arith.select %and3A_65, %add3A_67, %rem3A_53 : vector<4096x128xi1>, vector<4096x128xi32>
    %ge3A = arith.constant 32 : i32
    %ge3A_69 = vector.broadcast %ge3A : i32 to vector<4096x128xi32>
    %ge3A_70 = arith.cmpi sge, %select_n3A_68, %ge3A_69 : vector<4096x128xi32>
    %mul3A_71 = arith.constant -0.287823141 : f32
    %mul3A_72 = vector.broadcast %mul3A_71 : f32 to vector<4096x128xf32>
    %mul3A_73 = arith.mulf %convert_element_type3A_46, %mul3A_72 : vector<4096x128xf32>
    %exp3A = math.exp %mul3A_73 : vector<4096x128xf32>
    %mul3A_74 = arith.mulf %convert_element_type3A, %exp3A : vector<4096x128xf32>
    %jit3A_75 = arith.constant 1.57079637 : f32
    %jit3A_76 = arith.constant 0.000000e+00 : f32
    %broadcast_in_dim3A = vector.broadcast %jit3A_75 : f32 to vector<4096x128xf32>
    %broadcast_in_dim3A_77 = vector.broadcast %jit3A_76 : f32 to vector<4096x128xf32>
    %select_n3A_78 = arith.select %ge3A_70, %broadcast_in_dim3A, %broadcast_in_dim3A_77 : vector<4096x128xi1>, vector<4096x128xf32>
    %sub3A_79 = arith.subf %mul3A_74, %select_n3A_78 : vector<4096x128xf32>
    %cos3A = math.cos %sub3A_79 : vector<4096x128xf32>
    %swap3A = arith.constant 0 : index
    %swap3A_80 = arith.constant 0 : index
    %swap3A_81 = vector.load %arg0[%swap3A, %swap3A_80] : memref<4096x128xf32, #tpu.memory_space<vmem>>, vector<4096x128xf32>
    tpu.vector_store %arg0[%swap3A, %swap3A_80], %cos3A {strides = array<i32>} : memref<4096x128xf32, #tpu.memory_space<vmem>>, vector<4096x128xf32>,
    return
  }
}

</mosaic_0001>

<sc_bundles>
// kernel: kernel.4.cloned.1.call-start
scs
__scs_entry_jumppad:
0x0: {  	(pc) =	sbr.rel $0x88, $3  }
0x1: {  	(tag) =	ssettag $0x0;
	lr =	simm.s32 $0x1  }
0x2: {  	[smem:$0x3F9F] =	sst lr;
	_ =	strace $0xD0000000  }
0x3: {  	_ = 	snop  }
0x4: {  	_ = 	snop  }
0x5: {  	_ = 	snop  }
0x6: {  	_ = 	snop  }
0x7: {  	_ = 	snop  }
__scs_overlays_trampoline_lowered:
0x8: {  	[smem:$0x3FAE] =	sst s0  }
0x9: {  	[smem:$0x3FAF] =	sst s1  }
0xa: {  	[smem:$0x3FB0] =	sst s2  }
0xb: {  	[smem:$0x3FB1] =	sst s3  }
0xc: {  	[smem:$0x3FB2] =	sst s4  }
0xd: {  	[smem:$0x3FB3] =	sst s5  }
0xe: {  	[smem:$0x3FB4] =	sst s6  }
0xf: {  	[smem:$0x3FB5] =	sst s7  }
0x10: {  	[smem:$0x3FB6] =	sst s8  }
0x11: {  	[smem:$0x3FB7] =	sst s9;
	s0 =	simm.s32 @!p0 $0x0  }
0x12: {  	s1 =	sld [smem:$0x3F9D];
	s0 =	simm.s32 @p0 $0x1  }
0x13: {  	[smem:$0x3FB8] =	sst s0;
	s0 =	simm.s32 @!p1 $0x0  }
0x14: {  	s2 =	sld [smem:$0x3F9C];
	s0 =	simm.s32 @p1 $0x1  }
0x15: {  	[smem:$0x3FB9] =	sst s0;
	s0 =	simm.s32 @!p2 $0x0  }
0x16: {  	s3 =	sld [smem:$0x3FDB];
	s0 =	simm.s32 @p2 $0x1  }
0x17: {  	s4 =	simm.s32 $0x1BF5;
	[smem:$0x3FBB] =	sst s0  }
0x18: {  	s0 =	sld [smem:$0x3F9E];
	_ =	swait.ge [sflag:s4], $0x0  }
0x19: {  	s7 =	sld [smem:$0x3F9F]  }
0x1a: {  	s8 =	sadd.s32 $0xFFFFE003, lr  }
0x1b: {  	s9 =	sadd.s32 $0xFFFFFEF7, lr;
	s5 =	simm.s32 $0xFFFFFFFF;
	p2 =	slt.u32 s8, $0xFFFFF086  }
0x1c: {  	p1 =	slt.u32 s9, $0xF7A;
	s5 =	simm.s32 @!p2 $0x0  }
0x1d: {  	s5 =	simm.s32 @p1 $0x1;
	p0 =	seq.s32 s7, s2  }
0x1e: {  	s7 =	smul.u32 @!p0 $0xF7A, s2;
	p2 =	seq.s32 @!p0 s5, $0x0  }
0x1f: {  	s9 =	smul.u32 $0xF7A, s1;
	s8 =	simm.s32 @!p0 $0x1BF5;
	p2 =	por !p2, p0  }
0x20: {  	[sflag:s8] =	ssyncset.s32 @!p0 $0xFFFFF086;
	s6 =	sadd.s32 @!p0 s3, s7;
	s7 =	simm.s32 @!p0 $0x108  }
0x21: {  	s3 =	sadd.s32 s3, s9;
	s6 =	sadd.s32 @!p0 $0x88, s6;
	s7 =	simm.s32 @p2 $0x1082  }
0x22: {  	[simem:s7], [sflag:s8] =	dma.local @!p0 [hbm:s6], $0xF7A  }
0x23: {  	s9 =	sor.u32 $0xD0000000, s2;
	s6 =	simm.s32 $0x108;
	_ =	swait.ge @!p0 [sflag:s8], $0x0  }
0x24: {  	s3 =	sadd.s32 $0x88, s3;
	s6 =	simm.s32 @!p1 $0x1082;
	[sflag:s4] =	ssyncset.s32 $0xFFFFF086  }
0x25: {  	[simem:s6], [sflag:s4] =	dma.local [hbm:s3], $0xF7A  }
0x26: {  	[smem:$0x3F9F] =	sst s1;
	(tag) =	ssettag s2;
	_ =	strace s9  }
0x27: {  	s1 =	sld [smem:$0x3FAF]  }
0x28: {  	s2 =	sld [smem:$0x3FB0]  }
0x29: {  	s4 =	sld [smem:$0x3FB2]  }
0x2a: {  	p0 =	seq.s32 s5, $0x0;
	s5 =	sld [smem:$0x3FB3]  }
0x2b: {  	s6 =	sld [smem:$0x3FB4]  }
0x2c: {  	s7 =	sld [smem:$0x3FB5]  }
0x2d: {  	s3 =	simm.s32 $0x108;
	s8 =	sld [smem:$0x3FB6]  }
0x2e: {  	s3 =	simm.s32 @!p0 $0x1082;
	s9 =	sld [smem:$0x3FB7]  }
0x2f: {  	lr =	sadd.s32 s0, s3;
	s0 =	sld [smem:$0x3FAE]  }
0x30: {  	s3 =	sld [smem:$0x3FB1]  }
0x31: {  	[smem:$0x3FBA] =	sst s10  }
0x32: {  	s10 =	sld [smem:$0x3FB8];
	_ =	sdelay $0x3  }
0x33: {  	p0 =	seq.s32 s10, $0x1;
	s10 =	sld [smem:$0x3FBA];
	_ =	sdelay $0x3  }
0x34: {  	[smem:$0x3FBA] =	sst s10  }
0x35: {  	s10 =	sld [smem:$0x3FB9];
	_ =	sdelay $0x3  }
0x36: {  	p1 =	seq.s32 s10, $0x1;
	s10 =	sld [smem:$0x3FBA];
	_ =	sdelay $0x3  }
0x37: {  	[smem:$0x3FBA] =	sst s10  }
0x38: {  	s10 =	sld [smem:$0x3FBB]  }
0x39: {  	_ = 	snop;
	(pc) =	sbr.ind lr, $3  }
0x3a: {  	_ = 	snop  }
0x3b: {  	_ = 	snop  }
0x3c: {  	p2 =	seq.s32 s10, $0x1;
	s10 =	sld [smem:$0x3FBA]  }
0x3d: {  	_ =	shalt  }
0x3e: {  	_ =	shalt  }
0x3f: {  	_ =	shalt  }
0x40: {  	_ =	shalt  }
0x41: {  	_ =	shalt  }
0x42: {  	_ =	shalt  }
0x43: {  	_ =	shalt  }
0x44: {  	_ =	shalt  }
0x45: {  	_ =	shalt  }
0x46: {  	_ =	shalt  }
0x47: {  	_ =	shalt  }
0x48: {  	_ =	shalt  }
0x49: {  	_ =	shalt  }
0x4a: {  	_ =	shalt  }
0x4b: {  	_ =	shalt  }
0x4c: {  	_ =	shalt  }
0x4d: {  	_ =	shalt  }
0x4e: {  	_ =	shalt  }
0x4f: {  	_ =	shalt  }
0x50: {  	_ =	shalt  }
0x51: {  	_ =	shalt  }
0x52: {  	_ =	shalt  }
0x53: {  	_ =	shalt  }
0x54: {  	_ =	shalt  }
0x55: {  	_ =	shalt  }
0x56: {  	_ =	shalt  }
0x57: {  	_ =	shalt  }
0x58: {  	_ =	shalt  }
0x59: {  	_ =	shalt  }
0x5a: {  	_ =	shalt  }
0x5b: {  	_ =	shalt  }
0x5c: {  	_ =	shalt  }
0x5d: {  	_ =	shalt  }
0x5e: {  	_ =	shalt  }
0x5f: {  	_ =	shalt  }
0x60: {  	_ =	shalt  }
0x61: {  	_ =	shalt  }
0x62: {  	_ =	shalt  }
0x63: {  	_ =	shalt  }
0x64: {  	_ =	shalt  }
0x65: {  	_ =	shalt  }
0x66: {  	_ =	shalt  }
0x67: {  	_ =	shalt  }
0x68: {  	_ =	shalt  }
0x69: {  	_ =	shalt  }
0x6a: {  	_ =	shalt  }
0x6b: {  	_ =	shalt  }
0x6c: {  	_ =	shalt  }
0x6d: {  	_ =	shalt  }
0x6e: {  	_ =	shalt  }
0x6f: {  	_ =	shalt  }
0x70: {  	_ =	shalt  }
0x71: {  	_ =	shalt  }
0x72: {  	_ =	shalt  }
0x73: {  	_ =	shalt  }
0x74: {  	_ =	shalt  }
0x75: {  	_ =	shalt  }
0x76: {  	_ =	shalt  }
0x77: {  	_ =	shalt  }
0x78: {  	_ =	shalt  }
0x79: {  	_ =	shalt  }
0x7a: {  	_ =	shalt  }
0x7b: {  	_ =	shalt  }
0x7c: {  	_ =	shalt  }
0x7d: {  	_ =	shalt  }
0x7e: {  	_ =	shalt  }
0x7f: {  	_ =	shalt  }
0x80: {  	_ =	shalt  }
0x81: {  	_ =	shalt  }
0x82: {  	_ =	shalt  }
0x83: {  	_ =	shalt  }
0x84: {  	_ =	shalt  }
0x85: {  	_ =	shalt  }
0x86: {  	_ =	shalt  }
0x87: {  	_ =	shalt  }
.Lfunc_end0:
.L_simem_size_0:
called_computation_lowered:
.L_overlay_start_0:
0x88: {  	s2 =	sld [smem:$0x3FD9]  }
0x89: {  	s3 =	sld [smem:$0x3FFE];
	_ =	sdelay $0x1  }
0x8a: {  	s1 =	srdreg.scid  }
0x8b: {  	s0 =	sand.u32 $0x1, s1  }
0x8c: {  	s15 =	sshll.u32 s0, $0xA;
	s2 =	sadd.s32 s3, s2  }
0x8d: {  	s2 =	sadd.s32 s2, s15  }
0x8e: {  	[smem:$0x3FC6] =	sst s2  }
0x8f: {  	_ = 	snop  }
0x90: {  	s2 =	sld [smem:$0x3FD0];
	_ =	sdelay $0x1  }
0x91: {  	s16 =	sld [smem:$0x3FC9]  }
0x92: {  	s5 =	simm.s32 $0xA;
	s6 =	simm.s32 $0x10;
	s4 =	sld [smem:$0x3FC8]  }
0x93: {  	[smem:s6], [sflag:s5] =	dma.local [hbm:s2], $0x1  }
0x94: {  	_ =	swait.eq [sflag:s5], $0x1  }
0x95: {  	[sflag:s5] =	ssyncset.done $0x0  }
0x96: {  	[sflag:s5] =	ssyncadd.s32 $0xFFFFFFFF  }
0x97: {  	s17 =	sld [smem:$0x10];
	(tm) =	ssettm $0x1  }
0x98: {  	s18 =	sld [smem:$0x3FFB];
	_ =	sdelay $0x3  }
0x99: {  	_ =	strace s18  }
0x9a: {  	s5 =	sld [smem:$0x3FFC];
	_ =	sdelay $0x3  }
0x9b: {  	_ =	strace s5  }
0x9c: {  	s5 =	sld [smem:$0x3FFD];
	_ =	sdelay $0x3  }
0x9d: {  	_ =	strace s5  }
0x9e: {  	_ =	strace $0x8FFFFFFF  }
0x9f: {  	s19 =	sld [smem:$0x3FDB];
	_ =	sdelay $0x1  }
0xa0: {  	s20 =	simm.s32 $_scs_section_size  }
0xa1: {  	s7 =	simm.s32 $_size__tile_overlayer_lowered;
	s8 =	simm.s32 $_tile_overlayer_lowered  }
0xa2: {  	s23 =	simm.s32 $0x1BFF;
	s22 =	sshll.u32 s8, $0x1;
	s5 =	sadd.s32 s20, s19  }
0xa3: {  	s9 =	simm.s32 $0x0;
	s21 =	sshll.u32 s7, $0x1;
	s7 =	sadd.s32 s22, s5  }
0xa4: {  	[timem:s9], [sflag:s23] =	dma.local [hbm:s7], s21  }
0xa5: {  	_ =	swait.ge [sflag:s23], s21  }
0xa6: {  	s6 =	ssub.s32 $0x0, s21;
	[sflag:s23] =	ssyncset.done $0x0  }
0xa7: {  	[sflag:s23] =	ssyncadd.s32 s6;
	_ =	sdelay $0x1  }
0xa8: {  	s24 =	simm.s32 $0x1B8B  }
0xa9: {  	_ =	swait.ge [sflag:s24], $0x1  }
0xaa: {  	[sflag:s24] =	ssyncset.done $0x0  }
0xab: {  	s25 =	simm.s32 $0x1B8E;
	[sflag:s24] =	ssyncadd.s32 $0xFFFFFFFF  }
0xac: {  	s26 =	simm.s32 $execute0_lowered;
	[smem:$0x3FD2] =	sst s25  }
0xad: {  	s6 =	sshll.u32 s26, $0x1;
	_ =	strace $0x80000046;
	[dreg:$0x1] =	wrdreg $0xFFFFFFFF  }
0xae: {  	s28 =	simm.s32 $_size_execute0_lowered;
	s5 =	sadd.s32 s5, s6;
	[dreg:$0x0] =	wrdreg $0x0  }
0xaf: {  	s6 =	sshll.u32 s28, $0x1;
	[dreg:$0x2] =	wrdreg s5  }
0xb0: {  	[dreg:$0x3] =	wrdreg s6  }
0xb1: {  	[dreg:$0x4] =	wrdreg $0xC0  }
0xb2: {  	_ =	task [dreg:s9], $0x5FFFF  }
0xb3: {  	[dreg:$0x1] =	wrdreg $0xFFFFFFFF  }
0xb4: {  	[dreg:$0x0] =	wrdreg $0x60  }
0xb5: {  	[dreg:$0x2] =	wrdreg s16  }
0xb6: {  	[dreg:$0x3] =	wrdreg s4  }
0xb7: {  	[dreg:$0x4] =	wrdreg s17  }
0xb8: {  	[dreg:$0x5] =	wrdreg $0x9  }
0xb9: {  	_ =	task.clear_ibuf [dreg:s9], $0x6FFFF;
	_ =	strace $0x90000046  }
0xba: {  	s29 =	simm.s32 $0x9;
	_ =	strace $0x80000048  }
0xbb: {  	_ =	swait.ge [sflag:s29], $0x1  }
0xbc: {  	[sflag:s29] =	ssyncadd.s32 $0xFFFFFFFF  }
0xbd: {  	_ =	strace $0x90000048  }
0xbe: {  	_ =	sfence  }
0xbf: {  	s30 =	sld [smem:$0x0];
	_ =	sdelay $0x2  }
0xc0: {  	s31 =	sshll.u32 s1, $0xD;
	s1 =	sshrl.u32 s1, $0x2  }
0xc1: {  	s3 =	sand.u32 $0x4000, s31;
	s1 =	sadd.s32 s1, s30  }
0xc2: {  	s0 =	sor.u32 s3, s0;
	s1 =	sshll.u32 s1, $0x11  }
0xc3: {  	s0 =	sor.u32 s1, s0  }
0xc4: {  	s0 =	sadd.s32 $0x8F2B, s0  }
0xc5: {  	[sflag:s0] =	ssyncadd.remote.s32 $0x1  }
0xc6: {  	_ =	sfence.sel $0xFFFF  }
0xc7: {  	[dreg:$0x0] =	wrdreg $0xFFFFFFFF;
	(pc) =	sbr.abs _section_cstart, $3  }
0xc8: {  	[dreg:$0x1] =	wrdreg $0xFFFFFFFF  }
0xc9: {  	_ =	task.clear_ibuf [dreg:s9], $0x2FFFF;
	_ =	strace $0x9FFFFFFF  }
0xca: {  	(tm) =	ssettm $0x7FFFFFFF  }
0xcb: {  	_ =	shalt  }
tec
execute0_lowered:
.L_overlay_start_1:
0x0: {  	(tag) =	ssettag $0x1  }
0x1: {  	s0 =	rddreg [dreg:$0x0]  }
0x2: {  	s1 =	rddreg [dreg:$0x1]  }
0x3: {  	s2 =	rddreg [dreg:$0x2];
	s3 =	simm.s32 $0x0  }
0x4: {  	s4 =	srdreg.scid;
	s10 =	stileid.u32;
	s11 =	simm.s32 $0x1400  }
0x5: {  	s12 =	simm.s32 $0x1C00;
	s14 =	simm.s32 $0x2400;
	s17 =	simm.s32 $0x2C00  }
0x6: {  	s18 =	simm.s32 $0x3400;
	s19 =	simm.s32 $0x3C00;
	s16 =	simm.s32 $0x6400  }
0x7: {  	s15 =	simm.s32 $0xC400;
	s28 =	simm.s32 $0x3;
	s29 =	simm.s32 $0x6  }
0x8: {  	s30 =	simm.s32 $0x4;
	s31 =	simm.s32 $0x7;
	[smem:$0x7FF] =	sst s3  }
0x9: {  	s4 =	sand.u32 $0x1, s4;
	s5 =	sshll.u32 s10, $0x1;
	s6 =	sshll.u32 s10, $0x2  }
0xa: {  	s22 =	sshll.u32 s10, $0x12;
	s10 =	simm.s32 $0x8400;
	_ =	strace $0x80000047  }
0xb: {  	s5 =	sor.u32 s4, s5;
	s7 =	ssub.s32 $0x2, s4;
	s6 =	sand.u32 $0x30, s6  }
0xc: {  	s24 =	sshll.u32 s4, $0x11;
	s8 =	sshll.u32 s5, $0x9;
	s9 =	sshrl.u32 s7, $0x1  }
0xd: {  	s0 =	sadd.s32 s0, s6;
	s20 =	sshll.u32 s5, $0x11;
	s5 =	sadd.s32 $0x100, s1  }
0xe: {  	s6 =	sadd.s32 $0x200, s1;
	s8 =	sand.u32 $0xE00, s8;
	s21 =	sadd.s32 s2, s20  }
0xf: {  	s7 =	ssub.s32 s7, s9;
	s0 =	sadd.s32 s8, s0;
	[dreg:$0x6] =	wrdreg s21  }
0x10: {  	s20 =	simm.s32 $0x4C00;
	s23 =	sadd.s32 $0x1F000, s21;
	[dreg:$0x5] =	wrdreg s0  }
0x11: {  	s9 =	simm.s32 $0x0;
	s25 =	sadd.s32 $0x1F800, s21;
	[dreg:$0x8] =	wrdreg s23  }
0x12: {  	s8 =	sadd.s32 $0x300, s1;
	s26 =	smax.u32 s7, $0x1;
	[dreg:$0x9] =	wrdreg s25  }
0x13: {  	s7 =	simm.s32 $0x1;
	s0 =	sadd.s32 $0x1E800, s21;
	[dreg:$0xa] =	wrdreg s26  }
0x14: {  	s23 =	simm.s32 $0xC00;
	s21 =	simm.s32 $0x5400;
	s25 =	simm.s32 $0x2  }
0x15: {  	v2 =	vlaneseq.u32;
	s26 =	simm.s32 $0x5;
	[dreg:$0x7] =	wrdreg s0;
	s0 =	sadd.s32 s22, s2  }
0x16: {  	vm0 =	vmmov $0xffff;
	v1 =	vshrl.u32 v2, $0x3;
	s2 =	simm.s32 $0x4400;
	s22 =	simm.s32 $0x5C00;
	s0 =	sadd.s32 s24, s0  }
0x17: {  	v0 =	vand.u32 $0x7, v2;
	v2 =	vor.u32 $0x8, v2;
	v1 =	vmul.u32 $0x8, v1;
	s24 =	simm.s32 $0x6C00;
	[dreg:$0x4] =	wrdreg s0;
	s0 =	simm.s32 $0x8  }
.LBB2_1:
0x18: {  	[dreg:$0xb] =	wrdreg s9  }
0x19: {  	s4 =	rddreg [dreg:$0x5];
	s9 =	simm.s32 $0x80;
	s13 =	simm.s32 $0x200  }
0x1a: {  	[tilespmem:s3], [sflag:$0x9] =	stream.strided.gather [hbm4b:s4+s9], $0x400, s13, s9, $0x38;
	[tilespmem:$0x10400] =	vst v63  }
0x1b: {  	s13 =	simm.s32 $0x9  }
0x1c: {  	_ =	swait.ge [sflag:s13], $0x400  }
0x1d: {  	[sflag:s13] =	ssyncset.done $0x0  }
0x1e: {  	[sflag:s13] =	ssyncadd.s32 $0xFFFFFC00  }
0x1f: {  	v3 =	vld [tilespmem:$0x0];
	_ =	sdelay $0x4  }
0x20: {  	v4 =	vshll.u32 v3, $0x3  }
0x21: {  	v3 =	vand.u32 $0x7, v3;
	v4 =	vand.u32 $0xFFFFFFC0, v4  }
0x22: {  	v3 =	vor.u32 v3, v4  }
0x23: {  	v4 =	vperm.xlane v3, v0;
	_ =	sdelay $0x1  }
0x24: {  	v4 =	vadd.s32 v1, v4;
	_ =	sdelay $0x3  }
0x25: {  	s9 =	simm.s32 $0x400  }
0x26: {  	[tilespmem:s9], [sflag:$0x1] =	stream.indirect_vreg.gather [hbm4b:s1+s3], $0x80, v4, vm0, $0xb8;
	[tilespmem:$0x10400] =	vst v63  }
0x27: {  	v3 =	vperm.xlane v3, v2  }
0x28: {  	[tilespmem:s23], [sflag:$0x1] =	stream.indirect_vreg.gather [hbm4b:s5+s3], $0x80, v4, vm0, $0xb8;
	[tilespmem:$0x10400] =	vst v63  }
0x29: {  	v3 =	vadd.s32 v1, v3  }
0x2a: {  	[tilespmem:s11], [sflag:$0x1] =	stream.indirect_vreg.gather [hbm4b:s6+s3], $0x80, v4, vm0, $0xb8;
	[tilespmem:$0x10400] =	vst v63  }
0x2b: {  	_ = 	snop  }
0x2c: {  	[tilespmem:s12], [sflag:$0x1] =	stream.indirect_vreg.gather [hbm4b:s8+s3], $0x80, v4, vm0, $0xb8;
	[tilespmem:$0x10400] =	vst v63  }
0x2d: {  	_ = 	snop  }
0x2e: {  	[tilespmem:s14], [sflag:$0x1] =	stream.indirect_vreg.gather [hbm4b:s1+s3], $0x80, v3, vm0, $0xb8;
	[tilespmem:$0x10400] =	vst v63  }
0x2f: {  	_ = 	snop  }
0x30: {  	[tilespmem:s17], [sflag:$0x1] =	stream.indirect_vreg.gather [hbm4b:s5+s3], $0x80, v3, vm0, $0xb8;
	[tilespmem:$0x10400] =	vst v63  }
0x31: {  	_ = 	snop  }
0x32: {  	[tilespmem:s18], [sflag:$0x1] =	stream.indirect_vreg.gather [hbm4b:s6+s3], $0x80, v3, vm0, $0xb8;
	[tilespmem:$0x10400] =	vst v63  }
0x33: {  	_ = 	snop  }
0x34: {  	[tilespmem:s19], [sflag:$0x1] =	stream.indirect_vreg.gather [hbm4b:s8+s3], $0x80, v3, vm0, $0xb8;
	[tilespmem:$0x10400] =	vst v63  }
0x35: {  	v3 =	vld [tilespmem:$0x10];
	_ =	sdelay $0x4  }
0x36: {  	v61 =	vshll.u32 v3, $0x3  }
0x37: {  	v3 =	vand.u32 $0x7, v3;
	v4 =	vand.u32 $0xFFFFFFC0, v61  }
0x38: {  	v3 =	vor.u32 v3, v4  }
0x39: {  	v4 =	vperm.xlane v3, v0;
	_ =	sdelay $0x1  }
0x3a: {  	v4 =	vadd.s32 v1, v4;
	_ =	sdelay $0x4  }
0x3b: {  	[tilespmem:s2], [sflag:$0x2] =	stream.indirect_vreg.gather [hbm4b:s1+s3], $0x80, v4, vm0, $0xb8;
	[tilespmem:$0x10400] =	vst v63  }
0x3c: {  	v3 =	vperm.xlane v3, v2  }
0x3d: {  	[tilespmem:s20], [sflag:$0x2] =	stream.indirect_vreg.gather [hbm4b:s5+s3], $0x80, v4, vm0, $0xb8;
	[tilespmem:$0x10400] =	vst v63  }
0x3e: {  	v3 =	vadd.s32 v1, v3  }
0x3f: {  	[tilespmem:s21], [sflag:$0x2] =	stream.indirect_vreg.gather [hbm4b:s6+s3], $0x80, v4, vm0, $0xb8;
	[tilespmem:$0x10400] =	vst v63  }
0x40: {  	_ = 	snop  }
0x41: {  	[tilespmem:s22], [sflag:$0x2] =	stream.indirect_vreg.gather [hbm4b:s8+s3], $0x80, v4, vm0, $0xb8;
	[tilespmem:$0x10400] =	vst v63  }
0x42: {  	_ = 	snop  }
0x43: {  	[tilespmem:s16], [sflag:$0x2] =	stream.indirect_vreg.gather [hbm4b:s1+s3], $0x80, v3, vm0, $0xb8;
	[tilespmem:$0x10400] =	vst v63  }
0x44: {  	_ = 	snop  }
0x45: {  	[tilespmem:s24], [sflag:$0x2] =	stream.indirect_vreg.gather [hbm4b:s5+s3], $0x80, v3, vm0, $0xb8;
	[tilespmem:$0x10400] =	vst v63  }
0x46: {  	s24 =	simm.s32 $0x7400  }
0x47: {  	[tilespmem:s24], [sflag:$0x2] =	stream.indirect_vreg.gather [hbm4b:s6+s3], $0x80, v3, vm0, $0xb8;
	[tilespmem:$0x10400] =	vst v63  }
0x48: {  	s4 =	simm.s32 $0x7C00  }
0x49: {  	[tilespmem:s4], [sflag:$0x2] =	stream.indirect_vreg.gather [hbm4b:s8+s3], $0x80, v3, vm0, $0xb8;
	[tilespmem:$0x10400] =	vst v63  }
0x4a: {  	v3 =	vld [tilespmem:$0x20];
	_ =	sdelay $0x4  }
0x4b: {  	v62 =	vshll.u32 v3, $0x3  }
0x4c: {  	v3 =	vand.u32 $0x7, v3;
	v4 =	vand.u32 $0xFFFFFFC0, v62  }
0x4d: {  	v3 =	vor.u32 v3, v4  }
0x4e: {  	v4 =	vperm.xlane v3, v0;
	_ =	sdelay $0x1  }
0x4f: {  	v4 =	vadd.s32 v1, v4;
	_ =	sdelay $0x4  }
0x50: {  	[tilespmem:s10], [sflag:$0x3] =	stream.indirect_vreg.gather [hbm4b:s1+s3], $0x80, v4, vm0, $0xb8;
	[tilespmem:$0x10400] =	vst v63  }
0x51: {  	s11 =	simm.s32 $0x8C00;
	v3 =	vperm.xlane v3, v2  }
0x52: {  	[tilespmem:s11], [sflag:$0x3] =	stream.indirect_vreg.gather [hbm4b:s5+s3], $0x80, v4, vm0, $0xb8;
	[tilespmem:$0x10400] =	vst v63  }
0x53: {  	s12 =	simm.s32 $0x9400;
	v3 =	vadd.s32 v1, v3  }
0x54: {  	[tilespmem:s12], [sflag:$0x3] =	stream.indirect_vreg.gather [hbm4b:s6+s3], $0x80, v4, vm0, $0xb8;
	[tilespmem:$0x10400] =	vst v63  }
0x55: {  	s13 =	simm.s32 $0x9C00  }
0x56: {  	[tilespmem:s13], [sflag:$0x3] =	stream.indirect_vreg.gather [hbm4b:s8+s3], $0x80, v4, vm0, $0xb8;
	[tilespmem:$0x10400] =	vst v63  }
0x57: {  	s14 =	simm.s32 $0xA400  }
0x58: {  	[tilespmem:s14], [sflag:$0x3] =	stream.indirect_vreg.gather [hbm4b:s1+s3], $0x80, v3, vm0, $0xb8;
	[tilespmem:$0x10400] =	vst v63  }
0x59: {  	s16 =	simm.s32 $0xAC00  }
0x5a: {  	[tilespmem:s16], [sflag:$0x3] =	stream.indirect_vreg.gather [hbm4b:s5+s3], $0x80, v3, vm0, $0xb8;
	[tilespmem:$0x10400] =	vst v63  }
0x5b: {  	s17 =	simm.s32 $0xB400  }
0x5c: {  	[tilespmem:s17], [sflag:$0x3] =	stream.indirect_vreg.gather [hbm4b:s6+s3], $0x80, v3, vm0, $0xb8;
	[tilespmem:$0x10400] =	vst v63  }
0x5d: {  	s18 =	simm.s32 $0xBC00  }
0x5e: {  	[tilespmem:s18], [sflag:$0x3] =	stream.indirect_vreg.gather [hbm4b:s8+s3], $0x80, v3, vm0, $0xb8;
	[tilespmem:$0x10400] =	vst v63  }
0x5f: {  	_ =	swait.ge [sflag:s7], $0x4000  }
0x60: {  	[sflag:s7] =	ssyncset.done $0x0  }
0x61: {  	s19 =	rddreg [dreg:$0x6];
	[sflag:s7] =	ssyncadd.s32 $0xFFFFC000  }
0x62: {  	[hbm4b:s19+s3] =	stream.linear.scatter [tilespmem:s9], [sflag:$0x5], $0x4000, $0x38;
	[tilespmem:$0x10400] =	vst v63  }
0x63: {  	v3 =	vld [tilespmem:$0x30];
	_ =	sdelay $0x4  }
0x64: {  	v63 =	vshll.u32 v3, $0x3  }
0x65: {  	v3 =	vand.u32 $0x7, v3;
	v4 =	vand.u32 $0xFFFFFFC0, v63  }
0x66: {  	v3 =	vor.u32 v3, v4  }
0x67: {  	v4 =	vperm.xlane v3, v0;
	_ =	sdelay $0x1  }
0x68: {  	v4 =	vadd.s32 v1, v4;
	_ =	sdelay $0x4  }
0x69: {  	[tilespmem:s15], [sflag:$0x4] =	stream.indirect_vreg.gather [hbm4b:s1+s3], $0x80, v4, vm0, $0xb8;
	[tilespmem:$0x10400] =	vst v63  }
0x6a: {  	s20 =	simm.s32 $0xCC00;
	v3 =	vperm.xlane v3, v2  }
0x6b: {  	[tilespmem:s20], [sflag:$0x4] =	stream.indirect_vreg.gather [hbm4b:s5+s3], $0x80, v4, vm0, $0xb8;
	[tilespmem:$0x10400] =	vst v63  }
0x6c: {  	s21 =	simm.s32 $0xD400;
	v3 =	vadd.s32 v1, v3  }
0x6d: {  	[tilespmem:s21], [sflag:$0x4] =	stream.indirect_vreg.gather [hbm4b:s6+s3], $0x80, v4, vm0, $0xb8;
	[tilespmem:$0x10400] =	vst v63  }
0x6e: {  	s23 =	simm.s32 $0xE400;
	s22 =	simm.s32 $0xDC00;
	s24 =	simm.s32 $0xEC00  }
0x6f: {  	[tilespmem:s22], [sflag:$0x4] =	stream.indirect_vreg.gather [hbm4b:s8+s3], $0x80, v4, vm0, $0xb8;
	[tilespmem:$0x10400] =	vst v63  }
0x70: {  	s11 =	simm.s32 $0x6C00;
	s13 =	simm.s32 $0x70;
	s14 =	simm.s32 $0x0  }
0x71: {  	[tilespmem:s23], [sflag:$0x4] =	stream.indirect_vreg.gather [hbm4b:s1+s3], $0x80, v3, vm0, $0xb8;
	[tilespmem:$0x10400] =	vst v63  }
0x72: {  	s16 =	simm.s32 $0x6400;
	s17 =	simm.s32 $0xF400;
	s18 =	simm.s32 $0x2C00  }
0x73: {  	[tilespmem:s24], [sflag:$0x4] =	stream.indirect_vreg.gather [hbm4b:s5+s3], $0x80, v3, vm0, $0xb8;
	[tilespmem:$0x10400] =	vst v63  }
0x74: {  	s19 =	simm.s32 $0xFC00;
	s20 =	simm.s32 $0x3C00;
	s21 =	simm.s32 $0x4C00  }
0x75: {  	[tilespmem:s17], [sflag:$0x4] =	stream.indirect_vreg.gather [hbm4b:s6+s3], $0x80, v3, vm0, $0xb8;
	[tilespmem:$0x10400] =	vst v63  }
0x76: {  	s22 =	simm.s32 $0x5400;
	s23 =	simm.s32 $0x5C00;
	s24 =	simm.s32 $0x400  }
0x77: {  	[tilespmem:s19], [sflag:$0x4] =	stream.indirect_vreg.gather [hbm4b:s8+s3], $0x80, v3, vm0, $0xb8;
	[tilespmem:$0x10400] =	vst v63  }
.LBB2_2:
0x78: {  	_ =	swait.ge [sflag:s25], $0x4000  }
0x79: {  	s4 =	rddreg [dreg:$0x4]  }
0x7a: {  	[sflag:s25] =	ssyncset.done $0x0;
	s4 =	sadd.s32 s14, s4  }
0x7b: {  	s10 =	simm.s32 $0x4400;
	[sflag:s25] =	ssyncadd.s32 $0xFFFFC000;
	s9 =	sadd.s32 $0x800, s4  }
0x7c: {  	[hbm4b:s9+s3] =	stream.linear.scatter [tilespmem:s10], [sflag:$0x6], $0x4000, $0x38;
	[tilespmem:$0x10400] =	vst v63  }
0x7d: {  	_ =	swait.ge [sflag:s26], $0x4000  }
0x7e: {  	[sflag:s26] =	ssyncset.done $0x0  }
0x7f: {  	[sflag:s26] =	ssyncadd.s32 $0xFFFFC000  }
0x80: {  	v3 =	vld [tilespmem:s13+$0xFFFFFFD0];
	_ =	sdelay $0x4  }
0x81: {  	v4 =	vshll.u32 v3, $0x3  }
0x82: {  	v3 =	vand.u32 $0x7, v3;
	v4 =	vand.u32 $0xFFFFFFC0, v4  }
0x83: {  	v3 =	vor.u32 v3, v4  }
0x84: {  	v4 =	vperm.xlane v3, v0;
	_ =	sdelay $0x1  }
0x85: {  	v4 =	vadd.s32 v1, v4;
	_ =	sdelay $0x4  }
0x86: {  	[tilespmem:s24], [sflag:$0x1] =	stream.indirect_vreg.gather [hbm4b:s1+s3], $0x80, v4, vm0, $0xb8;
	[tilespmem:$0x10400] =	vst v63  }
0x87: {  	s2 =	simm.s32 $0xC00;
	v3 =	vperm.xlane v3, v2  }
0x88: {  	[tilespmem:s2], [sflag:$0x1] =	stream.indirect_vreg.gather [hbm4b:s5+s3], $0x80, v4, vm0, $0xb8;
	[tilespmem:$0x10400] =	vst v63  }
0x89: {  	s9 =	simm.s32 $0x1400;
	v3 =	vadd.s32 v1, v3  }
0x8a: {  	[tilespmem:s9], [sflag:$0x1] =	stream.indirect_vreg.gather [hbm4b:s6+s3], $0x80, v4, vm0, $0xb8;
	[tilespmem:$0x10400] =	vst v63  }
0x8b: {  	s12 =	simm.s32 $0x1C00  }
0x8c: {  	[tilespmem:s12], [sflag:$0x1] =	stream.indirect_vreg.gather [hbm4b:s8+s3], $0x80, v4, vm0, $0xb8;
	[tilespmem:$0x10400] =	vst v63  }
0x8d: {  	s9 =	simm.s32 $0x2400  }
0x8e: {  	[tilespmem:s9], [sflag:$0x1] =	stream.indirect_vreg.gather [hbm4b:s1+s3], $0x80, v3, vm0, $0xb8;
	[tilespmem:$0x10400] =	vst v63  }
0x8f: {  	_ = 	snop  }
0x90: {  	[tilespmem:s18], [sflag:$0x1] =	stream.indirect_vreg.gather [hbm4b:s5+s3], $0x80, v3, vm0, $0xb8;
	[tilespmem:$0x10400] =	vst v63  }
0x91: {  	s12 =	simm.s32 $0x3400  }
0x92: {  	[tilespmem:s12], [sflag:$0x1] =	stream.indirect_vreg.gather [hbm4b:s6+s3], $0x80, v3, vm0, $0xb8;
	[tilespmem:$0x10400] =	vst v63  }
0x93: {  	_ = 	snop  }
0x94: {  	[tilespmem:s20], [sflag:$0x1] =	stream.indirect_vreg.gather [hbm4b:s8+s3], $0x80, v3, vm0, $0xb8;
	[tilespmem:$0x10400] =	vst v63  }
0x95: {  	_ =	swait.ge [sflag:s28], $0x4000  }
0x96: {  	[sflag:s28] =	ssyncset.done $0x0  }
0x97: {  	s2 =	sadd.s32 $0x1000, s4;
	s12 =	simm.s32 $0x8400;
	[sflag:s28] =	ssyncadd.s32 $0xFFFFC000  }
0x98: {  	[hbm4b:s2+s3] =	stream.linear.scatter [tilespmem:s12], [sflag:$0x7], $0x4000, $0x38;
	[tilespmem:$0x10400] =	vst v63  }
0x99: {  	_ =	swait.ge [sflag:s29], $0x4000  }
0x9a: {  	[sflag:s29] =	ssyncset.done $0x0  }
0x9b: {  	[sflag:s29] =	ssyncadd.s32 $0xFFFFC000  }
0x9c: {  	v3 =	vld [tilespmem:s13+$0xFFFFFFE0];
	_ =	sdelay $0x4  }
0x9d: {  	v61 =	vshll.u32 v3, $0x3  }
0x9e: {  	v3 =	vand.u32 $0x7, v3;
	v4 =	vand.u32 $0xFFFFFFC0, v61  }
0x9f: {  	v3 =	vor.u32 v3, v4  }
0xa0: {  	v4 =	vperm.xlane v3, v0;
	_ =	sdelay $0x1  }
0xa1: {  	v4 =	vadd.s32 v1, v4;
	_ =	sdelay $0x4  }
0xa2: {  	[tilespmem:s10], [sflag:$0x2] =	stream.indirect_vreg.gather [hbm4b:s1+s3], $0x80, v4, vm0, $0xb8;
	[tilespmem:$0x10400] =	vst v63  }
0xa3: {  	v3 =	vperm.xlane v3, v2  }
0xa4: {  	[tilespmem:s21], [sflag:$0x2] =	stream.indirect_vreg.gather [hbm4b:s5+s3], $0x80, v4, vm0, $0xb8;
	[tilespmem:$0x10400] =	vst v63  }
0xa5: {  	v3 =	vadd.s32 v1, v3  }
0xa6: {  	[tilespmem:s22], [sflag:$0x2] =	stream.indirect_vreg.gather [hbm4b:s6+s3], $0x80, v4, vm0, $0xb8;
	[tilespmem:$0x10400] =	vst v63  }
0xa7: {  	_ = 	snop  }
0xa8: {  	[tilespmem:s23], [sflag:$0x2] =	stream.indirect_vreg.gather [hbm4b:s8+s3], $0x80, v4, vm0, $0xb8;
	[tilespmem:$0x10400] =	vst v63  }
0xa9: {  	_ = 	snop  }
0xaa: {  	[tilespmem:s16], [sflag:$0x2] =	stream.indirect_vreg.gather [hbm4b:s1+s3], $0x80, v3, vm0, $0xb8;
	[tilespmem:$0x10400] =	vst v63  }
0xab: {  	_ = 	snop  }
0xac: {  	[tilespmem:s11], [sflag:$0x2] =	stream.indirect_vreg.gather [hbm4b:s5+s3], $0x80, v3, vm0, $0xb8;
	[tilespmem:$0x10400] =	vst v63  }
0xad: {  	s10 =	simm.s32 $0x7400  }
0xae: {  	[tilespmem:s10], [sflag:$0x2] =	stream.indirect_vreg.gather [hbm4b:s6+s3], $0x80, v3, vm0, $0xb8;
	[tilespmem:$0x10400] =	vst v63  }
0xaf: {  	s10 =	simm.s32 $0x7C00  }
0xb0: {  	[tilespmem:s10], [sflag:$0x2] =	stream.indirect_vreg.gather [hbm4b:s8+s3], $0x80, v3, vm0, $0xb8;
	[tilespmem:$0x10400] =	vst v63  }
0xb1: {  	_ =	swait.ge [sflag:s30], $0x4000  }
0xb2: {  	[sflag:s30] =	ssyncset.done $0x0  }
0xb3: {  	s10 =	sadd.s32 $0x1800, s4;
	[sflag:s30] =	ssyncadd.s32 $0xFFFFC000  }
0xb4: {  	[hbm4b:s10+s3] =	stream.linear.scatter [tilespmem:s15], [sflag:$0x8], $0x4000, $0x38;
	[tilespmem:$0x10400] =	vst v63  }
0xb5: {  	_ =	swait.ge [sflag:s31], $0x4000  }
0xb6: {  	[sflag:s31] =	ssyncset.done $0x0  }
0xb7: {  	[sflag:s31] =	ssyncadd.s32 $0xFFFFC000  }
0xb8: {  	v3 =	vld [tilespmem:s13+$0xFFFFFFF0];
	_ =	sdelay $0x4  }
0xb9: {  	v62 =	vshll.u32 v3, $0x3  }
0xba: {  	v3 =	vand.u32 $0x7, v3;
	v4 =	vand.u32 $0xFFFFFFC0, v62  }
0xbb: {  	v3 =	vor.u32 v3, v4  }
0xbc: {  	v4 =	vperm.xlane v3, v0;
	_ =	sdelay $0x1  }
0xbd: {  	v4 =	vadd.s32 v1, v4;
	_ =	sdelay $0x4  }
0xbe: {  	[tilespmem:s12], [sflag:$0x3] =	stream.indirect_vreg.gather [hbm4b:s1+s3], $0x80, v4, vm0, $0xb8;
	[tilespmem:$0x10400] =	vst v63  }
0xbf: {  	v3 =	vperm.xlane v3, v2;
	s12 =	simm.s32 $0x8C00  }
0xc0: {  	[tilespmem:s12], [sflag:$0x3] =	stream.indirect_vreg.gather [hbm4b:s5+s3], $0x80, v4, vm0, $0xb8;
	[tilespmem:$0x10400] =	vst v63  }
0xc1: {  	v3 =	vadd.s32 v1, v3;
	s12 =	simm.s32 $0x9400  }
0xc2: {  	[tilespmem:s12], [sflag:$0x3] =	stream.indirect_vreg.gather [hbm4b:s6+s3], $0x80, v4, vm0, $0xb8;
	[tilespmem:$0x10400] =	vst v63  }
0xc3: {  	s12 =	simm.s32 $0x9C00  }
0xc4: {  	[tilespmem:s12], [sflag:$0x3] =	stream.indirect_vreg.gather [hbm4b:s8+s3], $0x80, v4, vm0, $0xb8;
	[tilespmem:$0x10400] =	vst v63  }
0xc5: {  	s12 =	simm.s32 $0xA400  }
0xc6: {  	[tilespmem:s12], [sflag:$0x3] =	stream.indirect_vreg.gather [hbm4b:s1+s3], $0x80, v3, vm0, $0xb8;
	[tilespmem:$0x10400] =	vst v63  }
0xc7: {  	s12 =	simm.s32 $0xAC00  }
0xc8: {  	[tilespmem:s12], [sflag:$0x3] =	stream.indirect_vreg.gather [hbm4b:s5+s3], $0x80, v3, vm0, $0xb8;
	[tilespmem:$0x10400] =	vst v63  }
0xc9: {  	s12 =	simm.s32 $0xB400  }
0xca: {  	[tilespmem:s12], [sflag:$0x3] =	stream.indirect_vreg.gather [hbm4b:s6+s3], $0x80, v3, vm0, $0xb8;
	[tilespmem:$0x10400] =	vst v63  }
0xcb: {  	s12 =	simm.s32 $0xBC00  }
0xcc: {  	[tilespmem:s12], [sflag:$0x3] =	stream.indirect_vreg.gather [hbm4b:s8+s3], $0x80, v3, vm0, $0xb8;
	[tilespmem:$0x10400] =	vst v63  }
0xcd: {  	_ =	swait.ge [sflag:s7], $0x4000  }
0xce: {  	[sflag:s7] =	ssyncset.done $0x0  }
0xcf: {  	s4 =	sadd.s32 $0x2000, s4;
	[sflag:s7] =	ssyncadd.s32 $0xFFFFC000  }
0xd0: {  	[hbm4b:s4+s3] =	stream.linear.scatter [tilespmem:s24], [sflag:$0x5], $0x4000, $0x38;
	[tilespmem:$0x10400] =	vst v63  }
0xd1: {  	_ =	swait.ge [sflag:s0], $0x4000  }
0xd2: {  	[sflag:s0] =	ssyncset.done $0x0  }
0xd3: {  	[sflag:s0] =	ssyncadd.s32 $0xFFFFC000  }
0xd4: {  	v3 =	vld [tilespmem:s13+$0x0];
	_ =	sdelay $0x4  }
0xd5: {  	v63 =	vshll.u32 v3, $0x3  }
0xd6: {  	v3 =	vand.u32 $0x7, v3;
	v4 =	vand.u32 $0xFFFFFFC0, v63  }
0xd7: {  	v3 =	vor.u32 v3, v4  }
0xd8: {  	v4 =	vperm.xlane v3, v0;
	_ =	sdelay $0x1  }
0xd9: {  	v4 =	vadd.s32 v1, v4;
	_ =	sdelay $0x4  }
0xda: {  	[tilespmem:s15], [sflag:$0x4] =	stream.indirect_vreg.gather [hbm4b:s1+s3], $0x80, v4, vm0, $0xb8;
	[tilespmem:$0x10400] =	vst v63  }
0xdb: {  	s12 =	simm.s32 $0xCC00;
	v3 =	vperm.xlane v3, v2  }
0xdc: {  	[tilespmem:s12], [sflag:$0x4] =	stream.indirect_vreg.gather [hbm4b:s5+s3], $0x80, v4, vm0, $0xb8;
	[tilespmem:$0x10400] =	vst v63  }
0xdd: {  	s9 =	simm.s32 $0xD400;
	v3 =	vadd.s32 v1, v3  }
0xde: {  	[tilespmem:s9], [sflag:$0x4] =	stream.indirect_vreg.gather [hbm4b:s6+s3], $0x80, v4, vm0, $0xb8;
	[tilespmem:$0x10400] =	vst v63  }
0xdf: {  	s12 =	simm.s32 $0xDC00  }
0xe0: {  	[tilespmem:s12], [sflag:$0x4] =	stream.indirect_vreg.gather [hbm4b:s8+s3], $0x80, v4, vm0, $0xb8;
	[tilespmem:$0x10400] =	vst v63  }
0xe1: {  	s9 =	simm.s32 $0xE400  }
0xe2: {  	[tilespmem:s9], [sflag:$0x4] =	stream.indirect_vreg.gather [hbm4b:s1+s3], $0x80, v3, vm0, $0xb8;
	[tilespmem:$0x10400] =	vst v63  }
0xe3: {  	p0 =	sne.s32 s14, $0x1C000;
	s12 =	simm.s32 $0xEC00  }
0xe4: {  	[tilespmem:s12], [sflag:$0x4] =	stream.indirect_vreg.gather [hbm4b:s5+s3], $0x80, v3, vm0, $0xb8;
	[tilespmem:$0x10400] =	vst v63  }
.Ltmp0:
0xe5: {  	_ = 	snop;
	(pc) =	sbr.rel @p0 .LBB2_2-.Ltmp0, $4  }
0xe6: {  	s14 =	sadd.s32 $0x2000, s14  }
0xe7: {  	[tilespmem:s17], [sflag:$0x4] =	stream.indirect_vreg.gather [hbm4b:s6+s3], $0x80, v3, vm0, $0xb8;
	[tilespmem:$0x10400] =	vst v63  }
0xe8: {  	s2 =	simm.s32 $0x4400;
	s10 =	simm.s32 $0x8400;
	s13 =	sadd.s32 $0x40, s13  }
0xe9: {  	[tilespmem:s19], [sflag:$0x4] =	stream.indirect_vreg.gather [hbm4b:s8+s3], $0x80, v3, vm0, $0xb8;
	[tilespmem:$0x10400] =	vst v63  }
0xea: {  	_ =	swait.ge [sflag:s25], $0x4000  }
0xeb: {  	[sflag:s25] =	ssyncset.done $0x0  }
0xec: {  	s4 =	rddreg [dreg:$0x7];
	[sflag:s25] =	ssyncadd.s32 $0xFFFFC000  }
0xed: {  	[hbm4b:s4+s3] =	stream.linear.scatter [tilespmem:s2], [sflag:$0x6], $0x4000, $0x38;
	[tilespmem:$0x10400] =	vst v63  }
0xee: {  	_ =	swait.ge [sflag:s28], $0x4000  }
0xef: {  	[sflag:s28] =	ssyncset.done $0x0  }
0xf0: {  	s22 =	rddreg [dreg:$0x8];
	[sflag:s28] =	ssyncadd.s32 $0xFFFFC000  }
0xf1: {  	[hbm4b:s22+s3] =	stream.linear.scatter [tilespmem:s10], [sflag:$0x7], $0x4000, $0x38;
	[tilespmem:$0x10400] =	vst v63  }
0xf2: {  	_ =	swait.ge [sflag:s30], $0x4000  }
0xf3: {  	[sflag:s30] =	ssyncset.done $0x0  }
0xf4: {  	s23 =	rddreg [dreg:$0x9];
	[sflag:s30] =	ssyncadd.s32 $0xFFFFC000  }
0xf5: {  	[hbm4b:s23+s3] =	stream.linear.scatter [tilespmem:s15], [sflag:$0x8], $0x4000, $0x38;
	[tilespmem:$0x10400] =	vst v63  }
0xf6: {  	_ =	swait.ge [sflag:s26], $0x4000  }
0xf7: {  	[sflag:s26] =	ssyncset.done $0x0  }
0xf8: {  	[sflag:s26] =	ssyncadd.s32 $0xFFFFC000  }
0xf9: {  	_ =	swait.ge [sflag:s29], $0x4000  }
0xfa: {  	[sflag:s29] =	ssyncset.done $0x0  }
0xfb: {  	[sflag:s29] =	ssyncadd.s32 $0xFFFFC000  }
0xfc: {  	_ =	swait.ge [sflag:s31], $0x4000  }
0xfd: {  	[sflag:s31] =	ssyncset.done $0x0  }
0xfe: {  	[sflag:s31] =	ssyncadd.s32 $0xFFFFC000  }
0xff: {  	_ =	swait.ge [sflag:s0], $0x4000  }
0x100: {  	s9 =	rddreg [dreg:$0xb]  }
0x101: {  	s24 =	rddreg [dreg:$0xa];
	s9 =	sadd.s32 $0x1, s9  }
0x102: {  	p0 =	sne.s32 s9, s24  }
.Ltmp1:
0x103: {  	s11 =	simm.s32 $0x1400;
	s12 =	simm.s32 $0x1C00;
	(pc) =	sbr.rel @p0 .LBB2_1-.Ltmp1, $4  }
0x104: {  	s14 =	simm.s32 $0x2400;
	s17 =	simm.s32 $0x2C00;
	s18 =	simm.s32 $0x3400  }
0x105: {  	s19 =	simm.s32 $0x3C00;
	s20 =	simm.s32 $0x4C00;
	s21 =	simm.s32 $0x5400  }
0x106: {  	s16 =	simm.s32 $0x6400;
	s22 =	simm.s32 $0x5C00;
	[sflag:s0] =	ssyncset.done $0x0  }
0x107: {  	s23 =	simm.s32 $0xC00;
	[sflag:s0] =	ssyncadd.s32 $0xFFFFC000;
	s24 =	simm.s32 $0x6C00  }
0x108: {  	_ =	sfence.sel $0x180000  }
0x109: {  	[bflag:$0x0] =	sbarrier.arrive $0xFFFF  }
0x10a: {  	_ =	strace $0x90000047  }
0x10b: {  	s0 =	stileid.u32;
	[bflag:$0x2] =	sbarrier.arrive $0xFFFF  }
0x10c: {  	p0 =	sne.s32 s0, $0x0;
	s0 =	rddreg [dreg:$0x3]  }
0x10d: {  	s0 =	sadd.s32 @!p0 $0x100000, s0  }
0x10e: {  	[sflag:s0] =	ssyncadd.tile.s32 @!p0 $0x1;
	_ =	shalt  }
.Lfunc_end2:
_tile_overlayer_lowered:
.L_overlay_start_2:
0x10f: {  	(tag) =	ssettag $0x2  }
0x110: {  	s0 =	rddreg [dreg:$0x0];
	s2 =	stileid.u32  }
0x111: {  	s1 =	rddreg [dreg:$0x1];
	p0 =	sne.s32 s2, $0x0  }
0x112: {  	s3 =	rddreg [dreg:$0x2];
	[bflag:$0x3] =	sbarrier.arrive $0xFFFF;
	s2 =	simm.s32 @!p0 $0x1C09  }
0x113: {  	[timem:s3], [sflag:s2] =	dma.local @!p0 [hbm:s0], s1  }
0x114: {  	s0 =	simm.s32 @!p0 $0x9  }
0x115: {  	_ =	swait.ge @!p0 [sflag:s0], s1  }
0x116: {  	s1 =	ssub.s32 @!p0 $0x0, s1;
	[sflag:s0] =	ssyncset.done @!p0 $0x0  }
0x117: {  	[sflag:s0] =	ssyncadd.s32 @!p0 s1  }
0x118: {  	[bflag:$0x3] =	sbarrier.arrive $0xFFFF  }
0x119: {  	_ =	shalt  }

</sc_bundles>
